<compile_context>
chip_gen: v7x
topology: tpu7x:2x2x1
jax: 0.10.2.dev20260603
libtpu: 0.0.44.dev20260713+nightly
codegen_flags: <defaults>
</compile_context>

<pallas_src>
import functools

import jax
import jax.numpy as jnp
from jax import lax
from jax.experimental import pallas as pl
from jax.experimental.pallas import tpu as pltpu
from jax.experimental.pallas import tpu_sc as plsc

B, V, F = 256, 6890, 13776
NC, NS = 2, 16
NW = NC * NS
BPW = B // NW
V3 = V * 3
NPAD_V = 6896
V3P = NPAD_V * 3
VBUF = 20736
NF_IT = F // 16
NZ_IT = V3P // 16
NL_IT = NPAD_V // 16
PAD_CORR = BPW * (NPAD_V - V) / (V * 16.0)


def _rsqrt(x):
    i = plsc.bitcast(x, jnp.int32)
    y = plsc.bitcast(jnp.int32(0x5F3759DF) - (i >> 1), jnp.float32)
    for _ in range(3):
        y = y * (1.5 - 0.5 * x * y * y)
    return y


mesh = plsc.VectorSubcoreMesh(core_axis_name="c", subcore_axis_name="s")


@functools.partial(
    pl.kernel,
    out_type=jax.ShapeDtypeStruct((NW * 16,), jnp.float32),
    mesh=mesh,
    compiler_params=pltpu.CompilerParams(needs_layout_passes=False),
    scratch_types=[
        pltpu.VMEM((F,), jnp.int32),
        pltpu.VMEM((F,), jnp.int32),
        pltpu.VMEM((F,), jnp.int32),
        pltpu.VMEM((VBUF,), jnp.float32),
        pltpu.VMEM((VBUF,), jnp.float32),
        pltpu.VMEM((V3P,), jnp.float32),
        pltpu.VMEM((V3P,), jnp.float32),
        pltpu.VMEM((16,), jnp.float32),
        pltpu.SemaphoreType.DMA,
        pltpu.SemaphoreType.DMA,
    ],
)
def _smpl_normal_loss_sc(pred_hbm, gt_hbm, f0_hbm, f1_hbm, f2_hbm, out_hbm,
                         f0v, f1v, f2v, vp, vg, accp, accg, outv,
                         semp, semg):
    wid = lax.axis_index("s") * NC + lax.axis_index("c")

    def copy_in(t, start, wait):
        b = jnp.minimum(t, BPW - 1) * NW + wid
        cp = pltpu.make_async_copy(pred_hbm.at[b], vp, semp)
        cg = pltpu.make_async_copy(gt_hbm.at[b], vg, semg)
        if start:
            cp.start()
            cg.start()
        if wait:
            cp.wait()
            cg.wait()

    copy_in(0, True, False)
    pltpu.sync_copy(f0_hbm, f0v)
    pltpu.sync_copy(f1_hbm, f1v)
    pltpu.sync_copy(f2_hbm, f2v)

    zeros16 = jnp.zeros((16,), jnp.float32)
    iota3 = lax.iota(jnp.int32, 16) * 3

    @plsc.parallel_loop(0, NZ_IT, unroll=8)
    def zero_body(i):
        accp[pl.ds(i * 16, 16)] = zeros16
        accg[pl.ds(i * 16, 16)] = zeros16

    def batch_body(t, lacc):
        copy_in(t, False, True)

        @plsc.parallel_loop(0, NF_IT, unroll=2)
        def face_body(i):
            j0 = f0v[pl.ds(i * 16, 16)]
            j1 = f1v[pl.ds(i * 16, 16)]
            j2 = f2v[pl.ds(i * 16, 16)]
            j0y, j0z = j0 + 1, j0 + 2
            j1y, j1z = j1 + 1, j1 + 2
            j2y, j2z = j2 + 1, j2 + 2
            for vbuf, acc in ((vp, accp), (vg, accg)):
                v0x = plsc.load_gather(vbuf, [j0])
                v0y = plsc.load_gather(vbuf, [j0y])
                v0z = plsc.load_gather(vbuf, [j0z])
                v1x = plsc.load_gather(vbuf, [j1])
                v1y = plsc.load_gather(vbuf, [j1y])
                v1z = plsc.load_gather(vbuf, [j1z])
                v2x = plsc.load_gather(vbuf, [j2])
                v2y = plsc.load_gather(vbuf, [j2y])
                v2z = plsc.load_gather(vbuf, [j2z])
                ax, ay, az = v1x - v0x, v1y - v0y, v1z - v0z
                bx, by, bz = v2x - v0x, v2y - v0y, v2z - v0z
                nx = ay * bz - az * by
                ny = az * bx - ax * bz
                nz = ax * by - ay * bx
                plsc.addupdate_scatter(acc, [j0], nx)
                plsc.addupdate_scatter(acc, [j1], nx)
                plsc.addupdate_scatter(acc, [j2], nx)
                plsc.addupdate_scatter(acc, [j0y], ny)
                plsc.addupdate_scatter(acc, [j1y], ny)
                plsc.addupdate_scatter(acc, [j2y], ny)
                plsc.addupdate_scatter(acc, [j0z], nz)
                plsc.addupdate_scatter(acc, [j1z], nz)
                plsc.addupdate_scatter(acc, [j2z], nz)

        copy_in(t + 1, True, False)

        @plsc.parallel_loop(0, NL_IT, unroll=2, carry=lacc)
        def loss_body(c, la):
            base = iota3 + c * 48
            base_y, base_z = base + 1, base + 2
            px = plsc.load_gather(accp, [base])
            py = plsc.load_gather(accp, [base_y])
            pz = plsc.load_gather(accp, [base_z])
            gx = plsc.load_gather(accg, [base])
            gy = plsc.load_gather(accg, [base_y])
            gz = plsc.load_gather(accg, [base_z])
            d = px * gx + py * gy + pz * gz
            a2 = px * px + py * py + pz * pz
            b2 = gx * gx + gy * gy + gz * gz
            t2 = jnp.maximum(a2, 1e-16) * jnp.maximum(b2, 1e-16)
            cos = jnp.abs(d) * _rsqrt(t2)
            accp[pl.ds(c * 48, 16)] = zeros16
            accp[pl.ds(c * 48 + 16, 16)] = zeros16
            accp[pl.ds(c * 48 + 32, 16)] = zeros16
            accg[pl.ds(c * 48, 16)] = zeros16
            accg[pl.ds(c * 48 + 16, 16)] = zeros16
            accg[pl.ds(c * 48 + 32, 16)] = zeros16
            return la + (1.0 - cos)

        return loss_body

    lacc = lax.fori_loop(0, BPW, batch_body, zeros16)
    copy_in(BPW - 1, False, True)
    outv[...] = lacc * (1.0 / V) - PAD_CORR
    pltpu.sync_copy(outv, out_hbm.at[pl.ds(wid * 16, 16)])


def kernel(pred_vertices, gt_vertices, faces):
    pad = ((0, 0), (0, VBUF - V3))
    pred = jnp.pad(pred_vertices.reshape(B, V3), pad)
    gt = jnp.pad(gt_vertices.reshape(B, V3), pad)
    f3 = faces * 3
    out = _smpl_normal_loss_sc(pred, gt, f3[:, 0], f3[:, 1], f3[:, 2])
    return jnp.sum(out)

# --- scband reference (transcript-rebuilt; emitter-appended) ---
"""Pipeline reference for scband-smplnormal-loss-52596169507585 (READ-ONLY COPY).

The authoritative reference and input builder live on the scoring server;
editing this copy changes nothing except your own understanding.
"""

import jax, jax.numpy as jnp
import numpy as np

B, V, F_ = 256, 6890, 13776


def compute_normals(vertices, faces):
    # vertices: (B, V, 3), faces: (F, 3) int
    i0 = faces[:, 0]
    i1 = faces[:, 1]
    i2 = faces[:, 2]
    v0 = vertices[:, i0, :]  # (B, F, 3) gather
    v1 = vertices[:, i1, :]
    v2 = vertices[:, i2, :]
    face_normals = jnp.cross(v1 - v0, v2 - v0)  # (B, F, 3)
    normals = jnp.zeros_like(vertices)
    normals = normals.at[:, i0, :].add(face_normals)
    normals = normals.at[:, i1, :].add(face_normals)
    normals = normals.at[:, i2, :].add(face_normals)
    norm = jnp.linalg.norm(normals, axis=-1, keepdims=True)
    normals = normals / jnp.maximum(norm, 1e-8)
    return normals


def setup_inputs(seed: int = 0) -> dict:
    key = jax.random.key(seed)
    k1, k2, k3 = jax.random.split(key, 3)
    pred_vertices = jax.random.normal(k1, (B, V, 3), dtype=jnp.float32)
    gt_vertices = jax.random.normal(k2, (B, V, 3), dtype=jnp.float32)
    faces = jax.random.randint(k3, (F_, 3), 0, V, dtype=jnp.int32)
    return {"pred_vertices": pred_vertices, "gt_vertices": gt_vertices, "faces": faces}


def reference(pred_vertices, gt_vertices, faces):
    pred_normals = compute_normals(pred_vertices, faces)
    gt_normals = compute_normals(gt_vertices, faces)
    dot = jnp.sum(pred_normals * gt_normals, axis=-1)
    denom = jnp.linalg.norm(pred_normals, axis=-1) * jnp.linalg.norm(gt_normals, axis=-1)
    cos_sim = dot / jnp.maximum(denom, 1e-8)
    per_vertex_loss = 1.0 - jnp.abs(cos_sim)  # (B, V)
    loss = per_vertex_loss.mean(axis=1).sum()
    return loss

if __name__ == "__main__":
    import jax
    _d = setup_inputs()
    print(jax.jit(kernel)(*tuple(_d.values())))

</pallas_src>

<mosaic_0001>
#map = affine_map<(d0, d1) -> (0, 0)>
#map1 = affine_map<(d0, d1) -> (0)>
module attributes {stable_mosaic.version = 14 : i64} {
  func.func @_smpl_normal_loss_sc(%arg0: i32, %arg1: i32, %arg2: memref<256x20736xf32, #tpu.memory_space<hbm>>, %arg3: memref<256x20736xf32, #tpu.memory_space<hbm>>, %arg4: memref<13776xi32, #tpu.memory_space<hbm>>, %arg5: memref<13776xi32, #tpu.memory_space<hbm>>, %arg6: memref<13776xi32, #tpu.memory_space<hbm>>, %arg7: memref<512xf32, #tpu.memory_space<hbm>>, %arg8: memref<13776xi32, #tpu.memory_space<vmem>>, %arg9: memref<13776xi32, #tpu.memory_space<vmem>>, %arg10: memref<13776xi32, #tpu.memory_space<vmem>>, %arg11: memref<20736xf32, #tpu.memory_space<vmem>>, %arg12: memref<20736xf32, #tpu.memory_space<vmem>>, %arg13: memref<20688xf32, #tpu.memory_space<vmem>>, %arg14: memref<20688xf32, #tpu.memory_space<vmem>>, %arg15: memref<16xf32, #tpu.memory_space<vmem>>, %arg16: memref<!tpu.dma_semaphore, #tpu.memory_space<semaphore_mem>>, %arg17: memref<!tpu.dma_semaphore, #tpu.memory_space<semaphore_mem>>) attributes {dimension_semantics = [#tpu.dimension_semantics<core_parallel>, #tpu.dimension_semantics<subcore_parallel>], iteration_bounds = array<i64: 2, 16>, scalar_prefetch = 0 : i64, scratch_operands = 10 : i64, tpu.core_type = #tpu.core_type<sc_vector_subcore>, window_params = [{transform_indices = #map}, {transform_indices = #map}, {transform_indices = #map1}, {transform_indices = #map1}, {transform_indices = #map1}, {transform_indices = #map1}]} {
    %mul3A = arith.constant 2 : i32
    %mul3A_0 = arith.muli %arg1, %mul3A : i32
    %add3A = arith.addi %mul3A_0, %arg0 : i32
    %min3A = arith.constant 0 : i32
    %min3A_1 = arith.constant 7 : i32
    %min3A_2 = arith.minsi %min3A, %min3A_1 : i32
    %mul3A_3 = arith.constant 32 : i32
    %mul3A_4 = arith.muli %min3A_2, %mul3A_3 : i32
    %add3A_5 = arith.addi %mul3A_4, %add3A : i32
    %dma_start3A = arith.constant 0 : i32
    %dma_start3A_6 = tpu.memref_slice %arg2[%add3A_5, %dma_start3A] : memref<256x20736xf32, #tpu.memory_space<hbm>> -> memref<1x20736xf32, #tpu.memory_space<hbm>>
    %dma_start3A_7 = tpu.memref_squeeze %dma_start3A_6 : memref<1x20736xf32, #tpu.memory_space<hbm>> -> memref<20736xf32, #tpu.memory_space<hbm>>
    %dma_start3A_8 = arith.constant 0 : i32
    %dma_start3A_9 = tpu.memref_slice %arg2[%add3A_5, %dma_start3A_8] : memref<256x20736xf32, #tpu.memory_space<hbm>> -> memref<1x20736xf32, #tpu.memory_space<hbm>>
    %dma_start3A_10 = tpu.memref_squeeze %dma_start3A_9 : memref<1x20736xf32, #tpu.memory_space<hbm>> -> memref<20736xf32, #tpu.memory_space<hbm>>
    tpu.enqueue_dma source(%dma_start3A_10 : memref<20736xf32, #tpu.memory_space<hbm>>) target(%arg11 : memref<20736xf32, #tpu.memory_space<vmem>>) target_semaphore(%arg16 : memref<!tpu.dma_semaphore, #tpu.memory_space<semaphore_mem>>)
    %dma_start3A_11 = arith.constant 0 : i32
    %dma_start3A_12 = tpu.memref_slice %arg3[%add3A_5, %dma_start3A_11] : memref<256x20736xf32, #tpu.memory_space<hbm>> -> memref<1x20736xf32, #tpu.memory_space<hbm>>
    %dma_start3A_13 = tpu.memref_squeeze %dma_start3A_12 : memref<1x20736xf32, #tpu.memory_space<hbm>> -> memref<20736xf32, #tpu.memory_space<hbm>>
    %dma_start3A_14 = arith.constant 0 : i32
    %dma_start3A_15 = tpu.memref_slice %arg3[%add3A_5, %dma_start3A_14] : memref<256x20736xf32, #tpu.memory_space<hbm>> -> memref<1x20736xf32, #tpu.memory_space<hbm>>
    %dma_start3A_16 = tpu.memref_squeeze %dma_start3A_15 : memref<1x20736xf32, #tpu.memory_space<hbm>> -> memref<20736xf32, #tpu.memory_space<hbm>>
    tpu.enqueue_dma source(%dma_start3A_16 : memref<20736xf32, #tpu.memory_space<hbm>>) target(%arg12 : memref<20736xf32, #tpu.memory_space<vmem>>) target_semaphore(%arg17 : memref<!tpu.dma_semaphore, #tpu.memory_space<semaphore_mem>>)
    "tpu.region"() ({
      %run_scoped3A = tpu.sem_alloc : memref<!tpu.dma_semaphore, #tpu.memory_space<semaphore_mem>>
      tpu.enqueue_dma source(%arg4 : memref<13776xi32, #tpu.memory_space<hbm>>) target(%arg8 : memref<13776xi32, #tpu.memory_space<vmem>>) target_semaphore(%run_scoped3A : memref<!tpu.dma_semaphore, #tpu.memory_space<semaphore_mem>>)
      tpu.wait_dma2 semaphore(%run_scoped3A : memref<!tpu.dma_semaphore, #tpu.memory_space<semaphore_mem>>) src(%arg4 : memref<13776xi32, #tpu.memory_space<hbm>>) dst(%arg8 : memref<13776xi32, #tpu.memory_space<vmem>>)
      tpu.yield
    }) : () -> ()
    "tpu.region"() ({
      %run_scoped3A = tpu.sem_alloc : memref<!tpu.dma_semaphore, #tpu.memory_space<semaphore_mem>>
      tpu.enqueue_dma source(%arg5 : memref<13776xi32, #tpu.memory_space<hbm>>) target(%arg9 : memref<13776xi32, #tpu.memory_space<vmem>>) target_semaphore(%run_scoped3A : memref<!tpu.dma_semaphore, #tpu.memory_space<semaphore_mem>>)
      tpu.wait_dma2 semaphore(%run_scoped3A : memref<!tpu.dma_semaphore, #tpu.memory_space<semaphore_mem>>) src(%arg5 : memref<13776xi32, #tpu.memory_space<hbm>>) dst(%arg9 : memref<13776xi32, #tpu.memory_space<vmem>>)
      tpu.yield
    }) : () -> ()
    "tpu.region"() ({
      %run_scoped3A = tpu.sem_alloc : memref<!tpu.dma_semaphore, #tpu.memory_space<semaphore_mem>>
      tpu.enqueue_dma source(%arg6 : memref<13776xi32, #tpu.memory_space<hbm>>) target(%arg10 : memref<13776xi32, #tpu.memory_space<vmem>>) target_semaphore(%run_scoped3A : memref<!tpu.dma_semaphore, #tpu.memory_space<semaphore_mem>>)
      tpu.wait_dma2 semaphore(%run_scoped3A : memref<!tpu.dma_semaphore, #tpu.memory_space<semaphore_mem>>) src(%arg6 : memref<13776xi32, #tpu.memory_space<hbm>>) dst(%arg10 : memref<13776xi32, #tpu.memory_space<vmem>>)
      tpu.yield
    }) : () -> ()
    %broadcast_in_dim3A = arith.constant 0.000000e+00 : f32
    %broadcast_in_dim3A_17 = vector.broadcast %broadcast_in_dim3A : f32 to vector<16xf32>
    %iota3A = tpu.iota {dimensions = array<i32: 0>} : vector<16xi32>
    %mul3A_18 = arith.constant 3 : i32
    %mul3A_19 = vector.broadcast %mul3A_18 : i32 to vector<16xi32>
    %mul3A_20 = arith.muli %iota3A, %mul3A_19 : vector<16xi32>
    %parallel_loop3A = arith.constant 0 : i32
    %parallel_loop3A_21 = arith.constant 1293 : i32
    %parallel_loop3A_22 = arith.constant 1 : i32
    scf.for %parallel_loop3A_53 = %parallel_loop3A to %parallel_loop3A_21 step %parallel_loop3A_22  : i32 {
      %parallel_loop3A_54 = arith.constant 16 : i32
      %parallel_loop3A_55 = arith.muli %parallel_loop3A_53, %parallel_loop3A_54 : i32
      %parallel_loop3A_56 = arith.index_cast %parallel_loop3A_55 : i32 to index
      %parallel_loop3A_57 = tpu.vector_load %arg13[%parallel_loop3A_56] {strides = array<i32>} : memref<20688xf32, #tpu.memory_space<vmem>>, vector<16xf32>,
      tpu.vector_store %arg13[%parallel_loop3A_56], %broadcast_in_dim3A_17 {strides = array<i32>} : memref<20688xf32, #tpu.memory_space<vmem>>, vector<16xf32>,
      %parallel_loop3A_58 = arith.constant 16 : i32
      %parallel_loop3A_59 = arith.muli %parallel_loop3A_53, %parallel_loop3A_58 : i32
      %parallel_loop3A_60 = arith.index_cast %parallel_loop3A_59 : i32 to index
      %parallel_loop3A_61 = tpu.vector_load %arg14[%parallel_loop3A_60] {strides = array<i32>} : memref<20688xf32, #tpu.memory_space<vmem>>, vector<16xf32>,
      tpu.vector_store %arg14[%parallel_loop3A_60], %broadcast_in_dim3A_17 {strides = array<i32>} : memref<20688xf32, #tpu.memory_space<vmem>>, vector<16xf32>,
    } {sc.loop_unroll_factor = 8 : i64, sc.parallel_access}
    %scan3A = arith.constant 0 : i32
    %scan3A_23 = arith.constant 8 : i32
    %scan3A_24 = arith.addi %scan3A, %scan3A_23 : i32
    %scan3A_25 = arith.constant 1 : i32
    %scan3A_26 = scf.for %scan3A_53 = %scan3A to %scan3A_24 step %scan3A_25 iter_args(%scan3A_54 = %broadcast_in_dim3A_17) -> (vector<16xf32>)  : i32 {
      %min3A_55 = arith.constant 7 : i32
      %min3A_56 = arith.minsi %scan3A_53, %min3A_55 : i32
      %mul3A_57 = arith.constant 32 : i32
      %mul3A_58 = arith.muli %min3A_56, %mul3A_57 : i32
      %add3A_59 = arith.addi %mul3A_58, %add3A : i32
      %dma_wait3A_60 = arith.constant 0 : i32
      %dma_wait3A_61 = tpu.memref_slice %arg2[%add3A_59, %dma_wait3A_60] : memref<256x20736xf32, #tpu.memory_space<hbm>> -> memref<1x20736xf32, #tpu.memory_space<hbm>>
      %dma_wait3A_62 = tpu.memref_squeeze %dma_wait3A_61 : memref<1x20736xf32, #tpu.memory_space<hbm>> -> memref<20736xf32, #tpu.memory_space<hbm>>
      %dma_wait3A_63 = arith.constant 0 : i32
      %dma_wait3A_64 = tpu.memref_slice %arg2[%add3A_59, %dma_wait3A_63] : memref<256x20736xf32, #tpu.memory_space<hbm>> -> memref<1x20736xf32, #tpu.memory_space<hbm>>
      %dma_wait3A_65 = tpu.memref_squeeze %dma_wait3A_64 : memref<1x20736xf32, #tpu.memory_space<hbm>> -> memref<20736xf32, #tpu.memory_space<hbm>>
      tpu.wait_dma2 semaphore(%arg16 : memref<!tpu.dma_semaphore, #tpu.memory_space<semaphore_mem>>) src(%dma_wait3A_65 : memref<20736xf32, #tpu.memory_space<hbm>>) dst(%arg11 : memref<20736xf32, #tpu.memory_space<vmem>>)
      %dma_wait3A_66 = arith.constant 0 : i32
      %dma_wait3A_67 = tpu.memref_slice %arg3[%add3A_59, %dma_wait3A_66] : memref<256x20736xf32, #tpu.memory_space<hbm>> -> memref<1x20736xf32, #tpu.memory_space<hbm>>
      %dma_wait3A_68 = tpu.memref_squeeze %dma_wait3A_67 : memref<1x20736xf32, #tpu.memory_space<hbm>> -> memref<20736xf32, #tpu.memory_space<hbm>>
      %dma_wait3A_69 = arith.constant 0 : i32
      %dma_wait3A_70 = tpu.memref_slice %arg3[%add3A_59, %dma_wait3A_69] : memref<256x20736xf32, #tpu.memory_space<hbm>> -> memref<1x20736xf32, #tpu.memory_space<hbm>>
      %dma_wait3A_71 = tpu.memref_squeeze %dma_wait3A_70 : memref<1x20736xf32, #tpu.memory_space<hbm>> -> memref<20736xf32, #tpu.memory_space<hbm>>
      tpu.wait_dma2 semaphore(%arg17 : memref<!tpu.dma_semaphore, #tpu.memory_space<semaphore_mem>>) src(%dma_wait3A_71 : memref<20736xf32, #tpu.memory_space<hbm>>) dst(%arg12 : memref<20736xf32, #tpu.memory_space<vmem>>)
      %parallel_loop3A_72 = arith.constant 0 : i32
      %parallel_loop3A_73 = arith.constant 861 : i32
      %parallel_loop3A_74 = arith.constant 1 : i32
      scf.for %parallel_loop3A_98 = %parallel_loop3A_72 to %parallel_loop3A_73 step %parallel_loop3A_74  : i32 {
        %parallel_loop3A_99 = arith.constant 16 : i32
        %parallel_loop3A_100 = arith.muli %parallel_loop3A_98, %parallel_loop3A_99 : i32
        %parallel_loop3A_101 = arith.index_cast %parallel_loop3A_100 : i32 to index
        %parallel_loop3A_102 = tpu.vector_load %arg8[%parallel_loop3A_101] {strides = array<i32>} : memref<13776xi32, #tpu.memory_space<vmem>>, vector<16xi32>,
        %parallel_loop3A_103 = arith.constant 16 : i32
        %parallel_loop3A_104 = arith.muli %parallel_loop3A_98, %parallel_loop3A_103 : i32
        %parallel_loop3A_105 = arith.index_cast %parallel_loop3A_104 : i32 to index
        %parallel_loop3A_106 = tpu.vector_load %arg9[%parallel_loop3A_105] {strides = array<i32>} : memref<13776xi32, #tpu.memory_space<vmem>>, vector<16xi32>,
        %parallel_loop3A_107 = arith.constant 16 : i32
        %parallel_loop3A_108 = arith.muli %parallel_loop3A_98, %parallel_loop3A_107 : i32
        %parallel_loop3A_109 = arith.index_cast %parallel_loop3A_108 : i32 to index
        %parallel_loop3A_110 = tpu.vector_load %arg10[%parallel_loop3A_109] {strides = array<i32>} : memref<13776xi32, #tpu.memory_space<vmem>>, vector<16xi32>,
        %parallel_loop3A_111 = arith.constant 1 : i32
        %parallel_loop3A_112 = vector.broadcast %parallel_loop3A_111 : i32 to vector<16xi32>
        %parallel_loop3A_113 = arith.addi %parallel_loop3A_102, %parallel_loop3A_112 : vector<16xi32>
        %parallel_loop3A_114 = arith.constant 2 : i32
        %parallel_loop3A_115 = vector.broadcast %parallel_loop3A_114 : i32 to vector<16xi32>
        %parallel_loop3A_116 = arith.addi %parallel_loop3A_102, %parallel_loop3A_115 : vector<16xi32>
        %parallel_loop3A_117 = arith.constant 1 : i32
        %parallel_loop3A_118 = vector.broadcast %parallel_loop3A_117 : i32 to vector<16xi32>
        %parallel_loop3A_119 = arith.addi %parallel_loop3A_106, %parallel_loop3A_118 : vector<16xi32>
        %parallel_loop3A_120 = arith.constant 2 : i32
        %parallel_loop3A_121 = vector.broadcast %parallel_loop3A_120 : i32 to vector<16xi32>
        %parallel_loop3A_122 = arith.addi %parallel_loop3A_106, %parallel_loop3A_121 : vector<16xi32>
        %parallel_loop3A_123 = arith.constant 1 : i32
        %parallel_loop3A_124 = vector.broadcast %parallel_loop3A_123 : i32 to vector<16xi32>
        %parallel_loop3A_125 = arith.addi %parallel_loop3A_110, %parallel_loop3A_124 : vector<16xi32>
        %parallel_loop3A_126 = arith.constant 2 : i32
        %parallel_loop3A_127 = vector.broadcast %parallel_loop3A_126 : i32 to vector<16xi32>
        %parallel_loop3A_128 = arith.addi %parallel_loop3A_110, %parallel_loop3A_127 : vector<16xi32>
        %parallel_loop3A_129 = tpu.vector_load_idx %arg11[%parallel_loop3A_102] : memref<20736xf32, #tpu.memory_space<vmem>>[vector<16xi32>], vector<16xf32>,
        %parallel_loop3A_130 = tpu.vector_load_idx %arg11[%parallel_loop3A_113] : memref<20736xf32, #tpu.memory_space<vmem>>[vector<16xi32>], vector<16xf32>,
        %parallel_loop3A_131 = tpu.vector_load_idx %arg11[%parallel_loop3A_116] : memref<20736xf32, #tpu.memory_space<vmem>>[vector<16xi32>], vector<16xf32>,
        %parallel_loop3A_132 = tpu.vector_load_idx %arg11[%parallel_loop3A_106] : memref<20736xf32, #tpu.memory_space<vmem>>[vector<16xi32>], vector<16xf32>,
        %parallel_loop3A_133 = tpu.vector_load_idx %arg11[%parallel_loop3A_119] : memref<20736xf32, #tpu.memory_space<vmem>>[vector<16xi32>], vector<16xf32>,
        %parallel_loop3A_134 = tpu.vector_load_idx %arg11[%parallel_loop3A_122] : memref<20736xf32, #tpu.memory_space<vmem>>[vector<16xi32>], vector<16xf32>,
        %parallel_loop3A_135 = tpu.vector_load_idx %arg11[%parallel_loop3A_110] : memref<20736xf32, #tpu.memory_space<vmem>>[vector<16xi32>], vector<16xf32>,
        %parallel_loop3A_136 = tpu.vector_load_idx %arg11[%parallel_loop3A_125] : memref<20736xf32, #tpu.memory_space<vmem>>[vector<16xi32>], vector<16xf32>,
        %parallel_loop3A_137 = tpu.vector_load_idx %arg11[%parallel_loop3A_128] : memref<20736xf32, #tpu.memory_space<vmem>>[vector<16xi32>], vector<16xf32>,
        %parallel_loop3A_138 = arith.subf %parallel_loop3A_132, %parallel_loop3A_129 : vector<16xf32>
        %parallel_loop3A_139 = arith.subf %parallel_loop3A_133, %parallel_loop3A_130 : vector<16xf32>
        %parallel_loop3A_140 = arith.subf %parallel_loop3A_134, %parallel_loop3A_131 : vector<16xf32>
        %parallel_loop3A_141 = arith.subf %parallel_loop3A_135, %parallel_loop3A_129 : vector<16xf32>
        %parallel_loop3A_142 = arith.subf %parallel_loop3A_136, %parallel_loop3A_130 : vector<16xf32>
        %parallel_loop3A_143 = arith.subf %parallel_loop3A_137, %parallel_loop3A_131 : vector<16xf32>
        %parallel_loop3A_144 = arith.mulf %parallel_loop3A_139, %parallel_loop3A_143 : vector<16xf32>
        %parallel_loop3A_145 = arith.mulf %parallel_loop3A_140, %parallel_loop3A_142 : vector<16xf32>
        %parallel_loop3A_146 = arith.subf %parallel_loop3A_144, %parallel_loop3A_145 : vector<16xf32>
        %parallel_loop3A_147 = arith.mulf %parallel_loop3A_140, %parallel_loop3A_141 : vector<16xf32>
        %parallel_loop3A_148 = arith.mulf %parallel_loop3A_138, %parallel_loop3A_143 : vector<16xf32>
        %parallel_loop3A_149 = arith.subf %parallel_loop3A_147, %parallel_loop3A_148 : vector<16xf32>
        %parallel_loop3A_150 = arith.mulf %parallel_loop3A_138, %parallel_loop3A_142 : vector<16xf32>
        %parallel_loop3A_151 = arith.mulf %parallel_loop3A_139, %parallel_loop3A_141 : vector<16xf32>
        %parallel_loop3A_152 = arith.subf %parallel_loop3A_150, %parallel_loop3A_151 : vector<16xf32>
        tpu.vector_store_idx %arg13[%parallel_loop3A_102], %parallel_loop3A_146 {add = true} : memref<20688xf32, #tpu.memory_space<vmem>>[vector<16xi32>], vector<16xf32>,
        tpu.vector_store_idx %arg13[%parallel_loop3A_106], %parallel_loop3A_146 {add = true} : memref<20688xf32, #tpu.memory_space<vmem>>[vector<16xi32>], vector<16xf32>,
        tpu.vector_store_idx %arg13[%parallel_loop3A_110], %parallel_loop3A_146 {add = true} : memref<20688xf32, #tpu.memory_space<vmem>>[vector<16xi32>], vector<16xf32>,
        tpu.vector_store_idx %arg13[%parallel_loop3A_113], %parallel_loop3A_149 {add = true} : memref<20688xf32, #tpu.memory_space<vmem>>[vector<16xi32>], vector<16xf32>,
        tpu.vector_store_idx %arg13[%parallel_loop3A_119], %parallel_loop3A_149 {add = true} : memref<20688xf32, #tpu.memory_space<vmem>>[vector<16xi32>], vector<16xf32>,
        tpu.vector_store_idx %arg13[%parallel_loop3A_125], %parallel_loop3A_149 {add = true} : memref<20688xf32, #tpu.memory_space<vmem>>[vector<16xi32>], vector<16xf32>,
        tpu.vector_store_idx %arg13[%parallel_loop3A_116], %parallel_loop3A_152 {add = true} : memref<20688xf32, #tpu.memory_space<vmem>>[vector<16xi32>], vector<16xf32>,
        tpu.vector_store_idx %arg13[%parallel_loop3A_122], %parallel_loop3A_152 {add = true} : memref<20688xf32, #tpu.memory_space<vmem>>[vector<16xi32>], vector<16xf32>,
        tpu.vector_store_idx %arg13[%parallel_loop3A_128], %parallel_loop3A_152 {add = true} : memref<20688xf32, #tpu.memory_space<vmem>>[vector<16xi32>], vector<16xf32>,
        %parallel_loop3A_153 = tpu.vector_load_idx %arg12[%parallel_loop3A_102] : memref<20736xf32, #tpu.memory_space<vmem>>[vector<16xi32>], vector<16xf32>,
        %parallel_loop3A_154 = tpu.vector_load_idx %arg12[%parallel_loop3A_113] : memref<20736xf32, #tpu.memory_space<vmem>>[vector<16xi32>], vector<16xf32>,
        %parallel_loop3A_155 = tpu.vector_load_idx %arg12[%parallel_loop3A_116] : memref<20736xf32, #tpu.memory_space<vmem>>[vector<16xi32>], vector<16xf32>,
        %parallel_loop3A_156 = tpu.vector_load_idx %arg12[%parallel_loop3A_106] : memref<20736xf32, #tpu.memory_space<vmem>>[vector<16xi32>], vector<16xf32>,
        %parallel_loop3A_157 = tpu.vector_load_idx %arg12[%parallel_loop3A_119] : memref<20736xf32, #tpu.memory_space<vmem>>[vector<16xi32>], vector<16xf32>,
        %parallel_loop3A_158 = tpu.vector_load_idx %arg12[%parallel_loop3A_122] : memref<20736xf32, #tpu.memory_space<vmem>>[vector<16xi32>], vector<16xf32>,
        %parallel_loop3A_159 = tpu.vector_load_idx %arg12[%parallel_loop3A_110] : memref<20736xf32, #tpu.memory_space<vmem>>[vector<16xi32>], vector<16xf32>,
        %parallel_loop3A_160 = tpu.vector_load_idx %arg12[%parallel_loop3A_125] : memref<20736xf32, #tpu.memory_space<vmem>>[vector<16xi32>], vector<16xf32>,
        %parallel_loop3A_161 = tpu.vector_load_idx %arg12[%parallel_loop3A_128] : memref<20736xf32, #tpu.memory_space<vmem>>[vector<16xi32>], vector<16xf32>,
        %parallel_loop3A_162 = arith.subf %parallel_loop3A_156, %parallel_loop3A_153 : vector<16xf32>
        %parallel_loop3A_163 = arith.subf %parallel_loop3A_157, %parallel_loop3A_154 : vector<16xf32>
        %parallel_loop3A_164 = arith.subf %parallel_loop3A_158, %parallel_loop3A_155 : vector<16xf32>
        %parallel_loop3A_165 = arith.subf %parallel_loop3A_159, %parallel_loop3A_153 : vector<16xf32>
        %parallel_loop3A_166 = arith.subf %parallel_loop3A_160, %parallel_loop3A_154 : vector<16xf32>
        %parallel_loop3A_167 = arith.subf %parallel_loop3A_161, %parallel_loop3A_155 : vector<16xf32>
        %parallel_loop3A_168 = arith.mulf %parallel_loop3A_163, %parallel_loop3A_167 : vector<16xf32>
        %parallel_loop3A_169 = arith.mulf %parallel_loop3A_164, %parallel_loop3A_166 : vector<16xf32>
        %parallel_loop3A_170 = arith.subf %parallel_loop3A_168, %parallel_loop3A_169 : vector<16xf32>
        %parallel_loop3A_171 = arith.mulf %parallel_loop3A_164, %parallel_loop3A_165 : vector<16xf32>
        %parallel_loop3A_172 = arith.mulf %parallel_loop3A_162, %parallel_loop3A_167 : vector<16xf32>
        %parallel_loop3A_173 = arith.subf %parallel_loop3A_171, %parallel_loop3A_172 : vector<16xf32>
        %parallel_loop3A_174 = arith.mulf %parallel_loop3A_162, %parallel_loop3A_166 : vector<16xf32>
        %parallel_loop3A_175 = arith.mulf %parallel_loop3A_163, %parallel_loop3A_165 : vector<16xf32>
        %parallel_loop3A_176 = arith.subf %parallel_loop3A_174, %parallel_loop3A_175 : vector<16xf32>
        tpu.vector_store_idx %arg14[%parallel_loop3A_102], %parallel_loop3A_170 {add = true} : memref<20688xf32, #tpu.memory_space<vmem>>[vector<16xi32>], vector<16xf32>,
        tpu.vector_store_idx %arg14[%parallel_loop3A_106], %parallel_loop3A_170 {add = true} : memref<20688xf32, #tpu.memory_space<vmem>>[vector<16xi32>], vector<16xf32>,
        tpu.vector_store_idx %arg14[%parallel_loop3A_110], %parallel_loop3A_170 {add = true} : memref<20688xf32, #tpu.memory_space<vmem>>[vector<16xi32>], vector<16xf32>,
        tpu.vector_store_idx %arg14[%parallel_loop3A_113], %parallel_loop3A_173 {add = true} : memref<20688xf32, #tpu.memory_space<vmem>>[vector<16xi32>], vector<16xf32>,
        tpu.vector_store_idx %arg14[%parallel_loop3A_119], %parallel_loop3A_173 {add = true} : memref<20688xf32, #tpu.memory_space<vmem>>[vector<16xi32>], vector<16xf32>,
        tpu.vector_store_idx %arg14[%parallel_loop3A_125], %parallel_loop3A_173 {add = true} : memref<20688xf32, #tpu.memory_space<vmem>>[vector<16xi32>], vector<16xf32>,
        tpu.vector_store_idx %arg14[%parallel_loop3A_116], %parallel_loop3A_176 {add = true} : memref<20688xf32, #tpu.memory_space<vmem>>[vector<16xi32>], vector<16xf32>,
        tpu.vector_store_idx %arg14[%parallel_loop3A_122], %parallel_loop3A_176 {add = true} : memref<20688xf32, #tpu.memory_space<vmem>>[vector<16xi32>], vector<16xf32>,
        tpu.vector_store_idx %arg14[%parallel_loop3A_128], %parallel_loop3A_176 {add = true} : memref<20688xf32, #tpu.memory_space<vmem>>[vector<16xi32>], vector<16xf32>,
      } {sc.loop_unroll_factor = 2 : i64, sc.parallel_access}
      %add3A_75 = arith.constant 1 : i32
      %add3A_76 = arith.addi %scan3A_53, %add3A_75 : i32
      %min3A_77 = arith.constant 7 : i32
      %min3A_78 = arith.minsi %add3A_76, %min3A_77 : i32
      %mul3A_79 = arith.constant 32 : i32
      %mul3A_80 = arith.muli %min3A_78, %mul3A_79 : i32
      %add3A_81 = arith.addi %mul3A_80, %add3A : i32
      %dma_start3A_82 = arith.constant 0 : i32
      %dma_start3A_83 = tpu.memref_slice %arg2[%add3A_81, %dma_start3A_82] : memref<256x20736xf32, #tpu.memory_space<hbm>> -> memref<1x20736xf32, #tpu.memory_space<hbm>>
      %dma_start3A_84 = tpu.memref_squeeze %dma_start3A_83 : memref<1x20736xf32, #tpu.memory_space<hbm>> -> memref<20736xf32, #tpu.memory_space<hbm>>
      %dma_start3A_85 = arith.constant 0 : i32
      %dma_start3A_86 = tpu.memref_slice %arg2[%add3A_81, %dma_start3A_85] : memref<256x20736xf32, #tpu.memory_space<hbm>> -> memref<1x20736xf32, #tpu.memory_space<hbm>>
      %dma_start3A_87 = tpu.memref_squeeze %dma_start3A_86 : memref<1x20736xf32, #tpu.memory_space<hbm>> -> memref<20736xf32, #tpu.memory_space<hbm>>
      tpu.enqueue_dma source(%dma_start3A_87 : memref<20736xf32, #tpu.memory_space<hbm>>) target(%arg11 : memref<20736xf32, #tpu.memory_space<vmem>>) target_semaphore(%arg16 : memref<!tpu.dma_semaphore, #tpu.memory_space<semaphore_mem>>)
      %dma_start3A_88 = arith.constant 0 : i32
      %dma_start3A_89 = tpu.memref_slice %arg3[%add3A_81, %dma_start3A_88] : memref<256x20736xf32, #tpu.memory_space<hbm>> -> memref<1x20736xf32, #tpu.memory_space<hbm>>
      %dma_start3A_90 = tpu.memref_squeeze %dma_start3A_89 : memref<1x20736xf32, #tpu.memory_space<hbm>> -> memref<20736xf32, #tpu.memory_space<hbm>>
      %dma_start3A_91 = arith.constant 0 : i32
      %dma_start3A_92 = tpu.memref_slice %arg3[%add3A_81, %dma_start3A_91] : memref<256x20736xf32, #tpu.memory_space<hbm>> -> memref<1x20736xf32, #tpu.memory_space<hbm>>
      %dma_start3A_93 = tpu.memref_squeeze %dma_start3A_92 : memref<1x20736xf32, #tpu.memory_space<hbm>> -> memref<20736xf32, #tpu.memory_space<hbm>>
      tpu.enqueue_dma source(%dma_start3A_93 : memref<20736xf32, #tpu.memory_space<hbm>>) target(%arg12 : memref<20736xf32, #tpu.memory_space<vmem>>) target_semaphore(%arg17 : memref<!tpu.dma_semaphore, #tpu.memory_space<semaphore_mem>>)
      %parallel_loop3A_94 = arith.constant 0 : i32
      %parallel_loop3A_95 = arith.constant 431 : i32
      %parallel_loop3A_96 = arith.constant 1 : i32
      %parallel_loop3A_97 = scf.for %parallel_loop3A_98 = %parallel_loop3A_94 to %parallel_loop3A_95 step %parallel_loop3A_96 iter_args(%parallel_loop3A_99 = %scan3A_54) -> (vector<16xf32>)  : i32 {
        %parallel_loop3A_100 = arith.constant 48 : i32
        %parallel_loop3A_101 = arith.muli %parallel_loop3A_98, %parallel_loop3A_100 : i32
        %parallel_loop3A_102 = vector.broadcast %parallel_loop3A_101 : i32 to vector<16xi32>
        %parallel_loop3A_103 = arith.addi %mul3A_20, %parallel_loop3A_102 : vector<16xi32>
        %parallel_loop3A_104 = arith.constant 1 : i32
        %parallel_loop3A_105 = vector.broadcast %parallel_loop3A_104 : i32 to vector<16xi32>
        %parallel_loop3A_106 = arith.addi %parallel_loop3A_103, %parallel_loop3A_105 : vector<16xi32>
        %parallel_loop3A_107 = arith.constant 2 : i32
        %parallel_loop3A_108 = vector.broadcast %parallel_loop3A_107 : i32 to vector<16xi32>
        %parallel_loop3A_109 = arith.addi %parallel_loop3A_103, %parallel_loop3A_108 : vector<16xi32>
        %parallel_loop3A_110 = tpu.vector_load_idx %arg13[%parallel_loop3A_103] : memref<20688xf32, #tpu.memory_space<vmem>>[vector<16xi32>], vector<16xf32>,
        %parallel_loop3A_111 = tpu.vector_load_idx %arg13[%parallel_loop3A_106] : memref<20688xf32, #tpu.memory_space<vmem>>[vector<16xi32>], vector<16xf32>,
        %parallel_loop3A_112 = tpu.vector_load_idx %arg13[%parallel_loop3A_109] : memref<20688xf32, #tpu.memory_space<vmem>>[vector<16xi32>], vector<16xf32>,
        %parallel_loop3A_113 = tpu.vector_load_idx %arg14[%parallel_loop3A_103] : memref<20688xf32, #tpu.memory_space<vmem>>[vector<16xi32>], vector<16xf32>,
        %parallel_loop3A_114 = tpu.vector_load_idx %arg14[%parallel_loop3A_106] : memref<20688xf32, #tpu.memory_space<vmem>>[vector<16xi32>], vector<16xf32>,
        %parallel_loop3A_115 = tpu.vector_load_idx %arg14[%parallel_loop3A_109] : memref<20688xf32, #tpu.memory_space<vmem>>[vector<16xi32>], vector<16xf32>,
        %parallel_loop3A_116 = arith.mulf %parallel_loop3A_110, %parallel_loop3A_113 : vector<16xf32>
        %parallel_loop3A_117 = arith.mulf %parallel_loop3A_111, %parallel_loop3A_114 : vector<16xf32>
        %parallel_loop3A_118 = arith.addf %parallel_loop3A_116, %parallel_loop3A_117 : vector<16xf32>
        %parallel_loop3A_119 = arith.mulf %parallel_loop3A_112, %parallel_loop3A_115 : vector<16xf32>
        %parallel_loop3A_120 = arith.addf %parallel_loop3A_118, %parallel_loop3A_119 : vector<16xf32>
        %parallel_loop3A_121 = arith.mulf %parallel_loop3A_110, %parallel_loop3A_110 : vector<16xf32>
        %parallel_loop3A_122 = arith.mulf %parallel_loop3A_111, %parallel_loop3A_111 : vector<16xf32>
        %parallel_loop3A_123 = arith.addf %parallel_loop3A_121, %parallel_loop3A_122 : vector<16xf32>
        %parallel_loop3A_124 = arith.mulf %parallel_loop3A_112, %parallel_loop3A_112 : vector<16xf32>
        %parallel_loop3A_125 = arith.addf %parallel_loop3A_123, %parallel_loop3A_124 : vector<16xf32>
        %parallel_loop3A_126 = arith.mulf %parallel_loop3A_113, %parallel_loop3A_113 : vector<16xf32>
        %parallel_loop3A_127 = arith.mulf %parallel_loop3A_114, %parallel_loop3A_114 : vector<16xf32>
        %parallel_loop3A_128 = arith.addf %parallel_loop3A_126, %parallel_loop3A_127 : vector<16xf32>
        %parallel_loop3A_129 = arith.mulf %parallel_loop3A_115, %parallel_loop3A_115 : vector<16xf32>
        %parallel_loop3A_130 = arith.addf %parallel_loop3A_128, %parallel_loop3A_129 : vector<16xf32>
        %parallel_loop3A_131 = arith.constant 1.000000e-16 : f32
        %parallel_loop3A_132 = vector.broadcast %parallel_loop3A_131 : f32 to vector<16xf32>
        %parallel_loop3A_133 = arith.maximumf %parallel_loop3A_125, %parallel_loop3A_132 : vector<16xf32>
        %parallel_loop3A_134 = arith.constant 1.000000e-16 : f32
        %parallel_loop3A_135 = vector.broadcast %parallel_loop3A_134 : f32 to vector<16xf32>
        %parallel_loop3A_136 = arith.maximumf %parallel_loop3A_130, %parallel_loop3A_135 : vector<16xf32>
        %parallel_loop3A_137 = arith.mulf %parallel_loop3A_133, %parallel_loop3A_136 : vector<16xf32>
        %parallel_loop3A_138 = math.absf %parallel_loop3A_120 : vector<16xf32>
        %parallel_loop3A_139 = vector.bitcast %parallel_loop3A_137 : vector<16xf32> to vector<16xi32>
        %parallel_loop3A_140 = arith.constant 1 : i32
        %parallel_loop3A_141 = vector.broadcast %parallel_loop3A_140 : i32 to vector<16xi32>
        %parallel_loop3A_142 = arith.shrsi %parallel_loop3A_139, %parallel_loop3A_141 : vector<16xi32>
        %parallel_loop3A_143 = arith.constant 1597463007 : i32
        %parallel_loop3A_144 = vector.broadcast %parallel_loop3A_143 : i32 to vector<16xi32>
        %parallel_loop3A_145 = arith.subi %parallel_loop3A_144, %parallel_loop3A_142 : vector<16xi32>
        %parallel_loop3A_146 = vector.bitcast %parallel_loop3A_145 : vector<16xi32> to vector<16xf32>
        %parallel_loop3A_147 = arith.constant 5.000000e-01 : f32
        %parallel_loop3A_148 = vector.broadcast %parallel_loop3A_147 : f32 to vector<16xf32>
        %parallel_loop3A_149 = arith.mulf %parallel_loop3A_148, %parallel_loop3A_137 : vector<16xf32>
        %parallel_loop3A_150 = arith.mulf %parallel_loop3A_149, %parallel_loop3A_146 : vector<16xf32>
        %parallel_loop3A_151 = arith.mulf %parallel_loop3A_150, %parallel_loop3A_146 : vector<16xf32>
        %parallel_loop3A_152 = arith.constant 1.500000e+00 : f32
        %parallel_loop3A_153 = vector.broadcast %parallel_loop3A_152 : f32 to vector<16xf32>
        %parallel_loop3A_154 = arith.subf %parallel_loop3A_153, %parallel_loop3A_151 : vector<16xf32>
        %parallel_loop3A_155 = arith.mulf %parallel_loop3A_146, %parallel_loop3A_154 : vector<16xf32>
        %parallel_loop3A_156 = arith.constant 5.000000e-01 : f32
        %parallel_loop3A_157 = vector.broadcast %parallel_loop3A_156 : f32 to vector<16xf32>
        %parallel_loop3A_158 = arith.mulf %parallel_loop3A_157, %parallel_loop3A_137 : vector<16xf32>
        %parallel_loop3A_159 = arith.mulf %parallel_loop3A_158, %parallel_loop3A_155 : vector<16xf32>
        %parallel_loop3A_160 = arith.mulf %parallel_loop3A_159, %parallel_loop3A_155 : vector<16xf32>
        %parallel_loop3A_161 = arith.constant 1.500000e+00 : f32
        %parallel_loop3A_162 = vector.broadcast %parallel_loop3A_161 : f32 to vector<16xf32>
        %parallel_loop3A_163 = arith.subf %parallel_loop3A_162, %parallel_loop3A_160 : vector<16xf32>
        %parallel_loop3A_164 = arith.mulf %parallel_loop3A_155, %parallel_loop3A_163 : vector<16xf32>
        %parallel_loop3A_165 = arith.constant 5.000000e-01 : f32
        %parallel_loop3A_166 = vector.broadcast %parallel_loop3A_165 : f32 to vector<16xf32>
        %parallel_loop3A_167 = arith.mulf %parallel_loop3A_166, %parallel_loop3A_137 : vector<16xf32>
        %parallel_loop3A_168 = arith.mulf %parallel_loop3A_167, %parallel_loop3A_164 : vector<16xf32>
        %parallel_loop3A_169 = arith.mulf %parallel_loop3A_168, %parallel_loop3A_164 : vector<16xf32>
        %parallel_loop3A_170 = arith.constant 1.500000e+00 : f32
        %parallel_loop3A_171 = vector.broadcast %parallel_loop3A_170 : f32 to vector<16xf32>
        %parallel_loop3A_172 = arith.subf %parallel_loop3A_171, %parallel_loop3A_169 : vector<16xf32>
        %parallel_loop3A_173 = arith.mulf %parallel_loop3A_164, %parallel_loop3A_172 : vector<16xf32>
        %parallel_loop3A_174 = arith.mulf %parallel_loop3A_138, %parallel_loop3A_173 : vector<16xf32>
        %parallel_loop3A_175 = arith.constant 48 : i32
        %parallel_loop3A_176 = arith.muli %parallel_loop3A_98, %parallel_loop3A_175 : i32
        %parallel_loop3A_177 = arith.index_cast %parallel_loop3A_176 : i32 to index
        %parallel_loop3A_178 = tpu.vector_load %arg13[%parallel_loop3A_177] {strides = array<i32>} : memref<20688xf32, #tpu.memory_space<vmem>>, vector<16xf32>,
        tpu.vector_store %arg13[%parallel_loop3A_177], %broadcast_in_dim3A_17 {strides = array<i32>} : memref<20688xf32, #tpu.memory_space<vmem>>, vector<16xf32>,
        %parallel_loop3A_179 = arith.constant 48 : i32
        %parallel_loop3A_180 = arith.muli %parallel_loop3A_98, %parallel_loop3A_179 : i32
        %parallel_loop3A_181 = arith.constant 16 : i32
        %parallel_loop3A_182 = arith.addi %parallel_loop3A_180, %parallel_loop3A_181 : i32
        %parallel_loop3A_183 = arith.index_cast %parallel_loop3A_182 : i32 to index
        %parallel_loop3A_184 = tpu.vector_load %arg13[%parallel_loop3A_183] {strides = array<i32>} : memref<20688xf32, #tpu.memory_space<vmem>>, vector<16xf32>,
        tpu.vector_store %arg13[%parallel_loop3A_183], %broadcast_in_dim3A_17 {strides = array<i32>} : memref<20688xf32, #tpu.memory_space<vmem>>, vector<16xf32>,
        %parallel_loop3A_185 = arith.constant 48 : i32
        %parallel_loop3A_186 = arith.muli %parallel_loop3A_98, %parallel_loop3A_185 : i32
        %parallel_loop3A_187 = arith.constant 32 : i32
        %parallel_loop3A_188 = arith.addi %parallel_loop3A_186, %parallel_loop3A_187 : i32
        %parallel_loop3A_189 = arith.index_cast %parallel_loop3A_188 : i32 to index
        %parallel_loop3A_190 = tpu.vector_load %arg13[%parallel_loop3A_189] {strides = array<i32>} : memref<20688xf32, #tpu.memory_space<vmem>>, vector<16xf32>,
        tpu.vector_store %arg13[%parallel_loop3A_189], %broadcast_in_dim3A_17 {strides = array<i32>} : memref<20688xf32, #tpu.memory_space<vmem>>, vector<16xf32>,
        %parallel_loop3A_191 = arith.constant 48 : i32
        %parallel_loop3A_192 = arith.muli %parallel_loop3A_98, %parallel_loop3A_191 : i32
        %parallel_loop3A_193 = arith.index_cast %parallel_loop3A_192 : i32 to index
        %parallel_loop3A_194 = tpu.vector_load %arg14[%parallel_loop3A_193] {strides = array<i32>} : memref<20688xf32, #tpu.memory_space<vmem>>, vector<16xf32>,
        tpu.vector_store %arg14[%parallel_loop3A_193], %broadcast_in_dim3A_17 {strides = array<i32>} : memref<20688xf32, #tpu.memory_space<vmem>>, vector<16xf32>,
        %parallel_loop3A_195 = arith.constant 48 : i32
        %parallel_loop3A_196 = arith.muli %parallel_loop3A_98, %parallel_loop3A_195 : i32
        %parallel_loop3A_197 = arith.constant 16 : i32
        %parallel_loop3A_198 = arith.addi %parallel_loop3A_196, %parallel_loop3A_197 : i32
        %parallel_loop3A_199 = arith.index_cast %parallel_loop3A_198 : i32 to index
        %parallel_loop3A_200 = tpu.vector_load %arg14[%parallel_loop3A_199] {strides = array<i32>} : memref<20688xf32, #tpu.memory_space<vmem>>, vector<16xf32>,
        tpu.vector_store %arg14[%parallel_loop3A_199], %broadcast_in_dim3A_17 {strides = array<i32>} : memref<20688xf32, #tpu.memory_space<vmem>>, vector<16xf32>,
        %parallel_loop3A_201 = arith.constant 48 : i32
        %parallel_loop3A_202 = arith.muli %parallel_loop3A_98, %parallel_loop3A_201 : i32
        %parallel_loop3A_203 = arith.constant 32 : i32
        %parallel_loop3A_204 = arith.addi %parallel_loop3A_202, %parallel_loop3A_203 : i32
        %parallel_loop3A_205 = arith.index_cast %parallel_loop3A_204 : i32 to index
        %parallel_loop3A_206 = tpu.vector_load %arg14[%parallel_loop3A_205] {strides = array<i32>} : memref<20688xf32, #tpu.memory_space<vmem>>, vector<16xf32>,
        tpu.vector_store %arg14[%parallel_loop3A_205], %broadcast_in_dim3A_17 {strides = array<i32>} : memref<20688xf32, #tpu.memory_space<vmem>>, vector<16xf32>,
        %parallel_loop3A_207 = arith.constant 1.000000e+00 : f32
        %parallel_loop3A_208 = vector.broadcast %parallel_loop3A_207 : f32 to vector<16xf32>
        %parallel_loop3A_209 = arith.subf %parallel_loop3A_208, %parallel_loop3A_174 : vector<16xf32>
        %parallel_loop3A_210 = arith.addf %parallel_loop3A_99, %parallel_loop3A_209 : vector<16xf32>
        scf.yield %parallel_loop3A_210 : vector<16xf32>
      } {sc.loop_unroll_factor = 2 : i64, sc.parallel_access}
      scf.yield %parallel_loop3A_97 : vector<16xf32>
    }
    %scan3A_27 = arith.constant 8 : i32
    %min3A_28 = arith.constant 7 : i32
    %min3A_29 = arith.constant 7 : i32
    %min3A_30 = arith.minsi %min3A_28, %min3A_29 : i32
    %mul3A_31 = arith.constant 32 : i32
    %mul3A_32 = arith.muli %min3A_30, %mul3A_31 : i32
    %add3A_33 = arith.addi %mul3A_32, %add3A : i32
    %dma_wait3A = arith.constant 0 : i32
    %dma_wait3A_34 = tpu.memref_slice %arg2[%add3A_33, %dma_wait3A] : memref<256x20736xf32, #tpu.memory_space<hbm>> -> memref<1x20736xf32, #tpu.memory_space<hbm>>
    %dma_wait3A_35 = tpu.memref_squeeze %dma_wait3A_34 : memref<1x20736xf32, #tpu.memory_space<hbm>> -> memref<20736xf32, #tpu.memory_space<hbm>>
    %dma_wait3A_36 = arith.constant 0 : i32
    %dma_wait3A_37 = tpu.memref_slice %arg2[%add3A_33, %dma_wait3A_36] : memref<256x20736xf32, #tpu.memory_space<hbm>> -> memref<1x20736xf32, #tpu.memory_space<hbm>>
    %dma_wait3A_38 = tpu.memref_squeeze %dma_wait3A_37 : memref<1x20736xf32, #tpu.memory_space<hbm>> -> memref<20736xf32, #tpu.memory_space<hbm>>
    tpu.wait_dma2 semaphore(%arg16 : memref<!tpu.dma_semaphore, #tpu.memory_space<semaphore_mem>>) src(%dma_wait3A_38 : memref<20736xf32, #tpu.memory_space<hbm>>) dst(%arg11 : memref<20736xf32, #tpu.memory_space<vmem>>)
    %dma_wait3A_39 = arith.constant 0 : i32
    %dma_wait3A_40 = tpu.memref_slice %arg3[%add3A_33, %dma_wait3A_39] : memref<256x20736xf32, #tpu.memory_space<hbm>> -> memref<1x20736xf32, #tpu.memory_space<hbm>>
    %dma_wait3A_41 = tpu.memref_squeeze %dma_wait3A_40 : memref<1x20736xf32, #tpu.memory_space<hbm>> -> memref<20736xf32, #tpu.memory_space<hbm>>
    %dma_wait3A_42 = arith.constant 0 : i32
    %dma_wait3A_43 = tpu.memref_slice %arg3[%add3A_33, %dma_wait3A_42] : memref<256x20736xf32, #tpu.memory_space<hbm>> -> memref<1x20736xf32, #tpu.memory_space<hbm>>
    %dma_wait3A_44 = tpu.memref_squeeze %dma_wait3A_43 : memref<1x20736xf32, #tpu.memory_space<hbm>> -> memref<20736xf32, #tpu.memory_space<hbm>>
    tpu.wait_dma2 semaphore(%arg17 : memref<!tpu.dma_semaphore, #tpu.memory_space<semaphore_mem>>) src(%dma_wait3A_44 : memref<20736xf32, #tpu.memory_space<hbm>>) dst(%arg12 : memref<20736xf32, #tpu.memory_space<vmem>>)
    %mul3A_45 = arith.constant 1.45137878E-4 : f32
    %mul3A_46 = vector.broadcast %mul3A_45 : f32 to vector<16xf32>
    %mul3A_47 = arith.mulf %scan3A_26, %mul3A_46 : vector<16xf32>
    %sub3A = arith.constant 4.35413647E-4 : f32
    %sub3A_48 = vector.broadcast %sub3A : f32 to vector<16xf32>
    %sub3A_49 = arith.subf %mul3A_47, %sub3A_48 : vector<16xf32>
    %swap3A = arith.constant 0 : index
    %swap3A_50 = tpu.vector_load %arg15[%swap3A] {strides = array<i32>} : memref<16xf32, #tpu.memory_space<vmem>>, vector<16xf32>,
    tpu.vector_store %arg15[%swap3A], %sub3A_49 {strides = array<i32>} : memref<16xf32, #tpu.memory_space<vmem>>, vector<16xf32>,
    %mul3A_51 = arith.constant 16 : i32
    %mul3A_52 = arith.muli %add3A, %mul3A_51 : i32
    "tpu.region"() ({
      %run_scoped3A = tpu.sem_alloc : memref<!tpu.dma_semaphore, #tpu.memory_space<semaphore_mem>>
      %dma_start3A_53 = tpu.memref_slice %arg7[%mul3A_52] : memref<512xf32, #tpu.memory_space<hbm>> -> memref<16xf32, #tpu.memory_space<hbm>>
      %dma_start3A_54 = tpu.memref_slice %arg7[%mul3A_52] : memref<512xf32, #tpu.memory_space<hbm>> -> memref<16xf32, #tpu.memory_space<hbm>>
      tpu.enqueue_dma source(%arg15 : memref<16xf32, #tpu.memory_space<vmem>>) target(%dma_start3A_54 : memref<16xf32, #tpu.memory_space<hbm>>) target_semaphore(%run_scoped3A : memref<!tpu.dma_semaphore, #tpu.memory_space<semaphore_mem>>)
      %dma_wait3A_55 = tpu.memref_slice %arg7[%mul3A_52] : memref<512xf32, #tpu.memory_space<hbm>> -> memref<16xf32, #tpu.memory_space<hbm>>
      %dma_wait3A_56 = tpu.memref_slice %arg7[%mul3A_52] : memref<512xf32, #tpu.memory_space<hbm>> -> memref<16xf32, #tpu.memory_space<hbm>>
      tpu.wait_dma2 semaphore(%run_scoped3A : memref<!tpu.dma_semaphore, #tpu.memory_space<semaphore_mem>>) src(%arg15 : memref<16xf32, #tpu.memory_space<vmem>>) dst(%dma_wait3A_56 : memref<16xf32, #tpu.memory_space<hbm>>)
      tpu.yield
    }) : () -> ()
    return
  }
}

</mosaic_0001>

<sc_bundles>
// kernel: kernel.3.cloned.1.call-start
scs
__scs_entry_jumppad:
0x0: {  	(pc) =	sbr.rel $0x88, $3  }
0x1: {  	(tag) =	ssettag $0x0;
	lr =	simm.s32 $0x1  }
0x2: {  	[smem:$0x3F9E] =	sst lr;
	_ =	strace $0xD0000000  }
0x3: {  	_ = 	snop  }
0x4: {  	_ = 	snop  }
0x5: {  	_ = 	snop  }
0x6: {  	_ = 	snop  }
0x7: {  	_ = 	snop  }
__scs_overlays_trampoline_lowered:
0x8: {  	[smem:$0x3FAD] =	sst s0  }
0x9: {  	[smem:$0x3FAE] =	sst s1  }
0xa: {  	[smem:$0x3FAF] =	sst s2  }
0xb: {  	[smem:$0x3FB0] =	sst s3  }
0xc: {  	[smem:$0x3FB1] =	sst s4  }
0xd: {  	[smem:$0x3FB2] =	sst s5  }
0xe: {  	[smem:$0x3FB3] =	sst s6  }
0xf: {  	[smem:$0x3FB4] =	sst s7  }
0x10: {  	[smem:$0x3FB5] =	sst s8  }
0x11: {  	[smem:$0x3FB6] =	sst s9;
	s0 =	simm.s32 @!p0 $0x0  }
0x12: {  	s1 =	sld [smem:$0x3F9C];
	s0 =	simm.s32 @p0 $0x1  }
0x13: {  	[smem:$0x3FB7] =	sst s0;
	s0 =	simm.s32 @!p1 $0x0  }
0x14: {  	s2 =	sld [smem:$0x3F9B];
	s0 =	simm.s32 @p1 $0x1  }
0x15: {  	[smem:$0x3FB8] =	sst s0;
	s0 =	simm.s32 @!p2 $0x0  }
0x16: {  	s3 =	sld [smem:$0x3FDB];
	s0 =	simm.s32 @p2 $0x1  }
0x17: {  	s4 =	simm.s32 $0x1BF5;
	[smem:$0x3FBA] =	sst s0  }
0x18: {  	s0 =	sld [smem:$0x3F9D];
	_ =	swait.ge [sflag:s4], $0x0  }
0x19: {  	s7 =	sld [smem:$0x3F9E]  }
0x1a: {  	s8 =	sadd.s32 $0xFFFFE003, lr  }
0x1b: {  	s9 =	sadd.s32 $0xFFFFFEF7, lr;
	s5 =	simm.s32 $0xFFFFFFFF;
	p2 =	slt.u32 s8, $0xFFFFF086  }
0x1c: {  	p1 =	slt.u32 s9, $0xF7A;
	s5 =	simm.s32 @!p2 $0x0  }
0x1d: {  	s5 =	simm.s32 @p1 $0x1;
	p0 =	seq.s32 s7, s2  }
0x1e: {  	s7 =	smul.u32 @!p0 $0xF7A, s2;
	p2 =	seq.s32 @!p0 s5, $0x0  }
0x1f: {  	s9 =	smul.u32 $0xF7A, s1;
	s8 =	simm.s32 @!p0 $0x1BF5;
	p2 =	por !p2, p0  }
0x20: {  	[sflag:s8] =	ssyncset.s32 @!p0 $0xFFFFF086;
	s6 =	sadd.s32 @!p0 s3, s7;
	s7 =	simm.s32 @!p0 $0x108  }
0x21: {  	s3 =	sadd.s32 s3, s9;
	s6 =	sadd.s32 @!p0 $0x88, s6;
	s7 =	simm.s32 @p2 $0x1082  }
0x22: {  	[simem:s7], [sflag:s8] =	dma.local @!p0 [hbm:s6], $0xF7A  }
0x23: {  	s9 =	sor.u32 $0xD0000000, s2;
	s6 =	simm.s32 $0x108;
	_ =	swait.ge @!p0 [sflag:s8], $0x0  }
0x24: {  	s3 =	sadd.s32 $0x88, s3;
	s6 =	simm.s32 @!p1 $0x1082;
	[sflag:s4] =	ssyncset.s32 $0xFFFFF086  }
0x25: {  	[simem:s6], [sflag:s4] =	dma.local [hbm:s3], $0xF7A  }
0x26: {  	[smem:$0x3F9E] =	sst s1;
	(tag) =	ssettag s2;
	_ =	strace s9  }
0x27: {  	s1 =	sld [smem:$0x3FAE]  }
0x28: {  	s2 =	sld [smem:$0x3FAF]  }
0x29: {  	s4 =	sld [smem:$0x3FB1]  }
0x2a: {  	p0 =	seq.s32 s5, $0x0;
	s5 =	sld [smem:$0x3FB2]  }
0x2b: {  	s6 =	sld [smem:$0x3FB3]  }
0x2c: {  	s7 =	sld [smem:$0x3FB4]  }
0x2d: {  	s3 =	simm.s32 $0x108;
	s8 =	sld [smem:$0x3FB5]  }
0x2e: {  	s3 =	simm.s32 @!p0 $0x1082;
	s9 =	sld [smem:$0x3FB6]  }
0x2f: {  	lr =	sadd.s32 s0, s3;
	s0 =	sld [smem:$0x3FAD]  }
0x30: {  	s3 =	sld [smem:$0x3FB0]  }
0x31: {  	[smem:$0x3FB9] =	sst s10  }
0x32: {  	s10 =	sld [smem:$0x3FB7];
	_ =	sdelay $0x3  }
0x33: {  	p0 =	seq.s32 s10, $0x1;
	s10 =	sld [smem:$0x3FB9];
	_ =	sdelay $0x3  }
0x34: {  	[smem:$0x3FB9] =	sst s10  }
0x35: {  	s10 =	sld [smem:$0x3FB8];
	_ =	sdelay $0x3  }
0x36: {  	p1 =	seq.s32 s10, $0x1;
	s10 =	sld [smem:$0x3FB9];
	_ =	sdelay $0x3  }
0x37: {  	[smem:$0x3FB9] =	sst s10  }
0x38: {  	s10 =	sld [smem:$0x3FBA]  }
0x39: {  	_ = 	snop;
	(pc) =	sbr.ind lr, $3  }
0x3a: {  	_ = 	snop  }
0x3b: {  	_ = 	snop  }
0x3c: {  	p2 =	seq.s32 s10, $0x1;
	s10 =	sld [smem:$0x3FB9]  }
0x3d: {  	_ =	shalt  }
0x3e: {  	_ =	shalt  }
0x3f: {  	_ =	shalt  }
0x40: {  	_ =	shalt  }
0x41: {  	_ =	shalt  }
0x42: {  	_ =	shalt  }
0x43: {  	_ =	shalt  }
0x44: {  	_ =	shalt  }
0x45: {  	_ =	shalt  }
0x46: {  	_ =	shalt  }
0x47: {  	_ =	shalt  }
0x48: {  	_ =	shalt  }
0x49: {  	_ =	shalt  }
0x4a: {  	_ =	shalt  }
0x4b: {  	_ =	shalt  }
0x4c: {  	_ =	shalt  }
0x4d: {  	_ =	shalt  }
0x4e: {  	_ =	shalt  }
0x4f: {  	_ =	shalt  }
0x50: {  	_ =	shalt  }
0x51: {  	_ =	shalt  }
0x52: {  	_ =	shalt  }
0x53: {  	_ =	shalt  }
0x54: {  	_ =	shalt  }
0x55: {  	_ =	shalt  }
0x56: {  	_ =	shalt  }
0x57: {  	_ =	shalt  }
0x58: {  	_ =	shalt  }
0x59: {  	_ =	shalt  }
0x5a: {  	_ =	shalt  }
0x5b: {  	_ =	shalt  }
0x5c: {  	_ =	shalt  }
0x5d: {  	_ =	shalt  }
0x5e: {  	_ =	shalt  }
0x5f: {  	_ =	shalt  }
0x60: {  	_ =	shalt  }
0x61: {  	_ =	shalt  }
0x62: {  	_ =	shalt  }
0x63: {  	_ =	shalt  }
0x64: {  	_ =	shalt  }
0x65: {  	_ =	shalt  }
0x66: {  	_ =	shalt  }
0x67: {  	_ =	shalt  }
0x68: {  	_ =	shalt  }
0x69: {  	_ =	shalt  }
0x6a: {  	_ =	shalt  }
0x6b: {  	_ =	shalt  }
0x6c: {  	_ =	shalt  }
0x6d: {  	_ =	shalt  }
0x6e: {  	_ =	shalt  }
0x6f: {  	_ =	shalt  }
0x70: {  	_ =	shalt  }
0x71: {  	_ =	shalt  }
0x72: {  	_ =	shalt  }
0x73: {  	_ =	shalt  }
0x74: {  	_ =	shalt  }
0x75: {  	_ =	shalt  }
0x76: {  	_ =	shalt  }
0x77: {  	_ =	shalt  }
0x78: {  	_ =	shalt  }
0x79: {  	_ =	shalt  }
0x7a: {  	_ =	shalt  }
0x7b: {  	_ =	shalt  }
0x7c: {  	_ =	shalt  }
0x7d: {  	_ =	shalt  }
0x7e: {  	_ =	shalt  }
0x7f: {  	_ =	shalt  }
0x80: {  	_ =	shalt  }
0x81: {  	_ =	shalt  }
0x82: {  	_ =	shalt  }
0x83: {  	_ =	shalt  }
0x84: {  	_ =	shalt  }
0x85: {  	_ =	shalt  }
0x86: {  	_ =	shalt  }
0x87: {  	_ =	shalt  }
.Lfunc_end0:
.L_simem_size_0:
called_computation_lowered:
.L_overlay_start_0:
0x88: {  	s2 =	sld [smem:$0x3FD9]  }
0x89: {  	s3 =	sld [smem:$0x3FFE];
	_ =	sdelay $0x1  }
0x8a: {  	s1 =	srdreg.scid  }
0x8b: {  	s0 =	sand.u32 $0x1, s1  }
0x8c: {  	s16 =	sshll.u32 s0, $0xA;
	s2 =	sadd.s32 s3, s2  }
0x8d: {  	s2 =	sadd.s32 s2, s16  }
0x8e: {  	[smem:$0x3FC5] =	sst s2  }
0x8f: {  	_ = 	snop  }
0x90: {  	(tm) =	ssettm $0x1  }
0x91: {  	s17 =	sld [smem:$0x3FFB];
	_ =	sdelay $0x3  }
0x92: {  	_ =	strace s17  }
0x93: {  	s2 =	sld [smem:$0x3FFC];
	_ =	sdelay $0x3  }
0x94: {  	_ =	strace s2  }
0x95: {  	s2 =	sld [smem:$0x3FFD];
	_ =	sdelay $0x3  }
0x96: {  	_ =	strace s2  }
0x97: {  	_ =	strace $0x8FFFFFFF  }
0x98: {  	s18 =	sld [smem:$0x3FDB];
	_ =	sdelay $0x1  }
0x99: {  	s19 =	simm.s32 $_scs_section_size  }
0x9a: {  	s4 =	simm.s32 $_size__tile_overlayer_lowered;
	s5 =	simm.s32 $_tile_overlayer_lowered  }
0x9b: {  	s22 =	simm.s32 $0x1BFF;
	s21 =	sshll.u32 s5, $0x1;
	s2 =	sadd.s32 s19, s18  }
0x9c: {  	s6 =	simm.s32 $0x0;
	s20 =	sshll.u32 s4, $0x1;
	s4 =	sadd.s32 s21, s2  }
0x9d: {  	[timem:s6], [sflag:s22] =	dma.local [hbm:s4], s20  }
0x9e: {  	_ =	swait.ge [sflag:s22], s20  }
0x9f: {  	s3 =	ssub.s32 $0x0, s20;
	[sflag:s22] =	ssyncset.done $0x0  }
0xa0: {  	[sflag:s22] =	ssyncadd.s32 s3;
	_ =	sdelay $0x1  }
0xa1: {  	s23 =	simm.s32 $0x1B8B  }
0xa2: {  	_ =	swait.ge [sflag:s23], $0x1  }
0xa3: {  	[sflag:s23] =	ssyncset.done $0x0  }
0xa4: {  	s25 =	simm.s32 $0x1B8E;
	s24 =	sld [smem:$0x3FFE];
	[sflag:s23] =	ssyncadd.s32 $0xFFFFFFFF  }
0xa5: {  	s26 =	simm.s32 $execute0_lowered;
	[smem:$0x3FD2] =	sst s25  }
0xa6: {  	s4 =	sshll.u32 s26, $0x1;
	_ =	strace $0x80000046;
	[dreg:$0x1] =	wrdreg $0xFFFFFFFF  }
0xa7: {  	s28 =	simm.s32 $_size_execute0_lowered;
	s2 =	sadd.s32 s2, s4;
	[dreg:$0x0] =	wrdreg $0x0  }
0xa8: {  	s4 =	sshll.u32 s28, $0x1;
	[dreg:$0x2] =	wrdreg s2  }
0xa9: {  	[dreg:$0x3] =	wrdreg s4  }
0xaa: {  	[dreg:$0x4] =	wrdreg $0xC0  }
0xab: {  	_ =	task [dreg:s6], $0x5FFFF  }
0xac: {  	[dreg:$0x1] =	wrdreg $0xFFFFFFFF  }
0xad: {  	[dreg:$0x0] =	wrdreg $0x60  }
0xae: {  	[dreg:$0x2] =	wrdreg s24  }
0xaf: {  	[dreg:$0x3] =	wrdreg $0x9  }
0xb0: {  	_ =	task.clear_ibuf [dreg:s6], $0x4FFFF;
	_ =	strace $0x90000046  }
0xb1: {  	s29 =	simm.s32 $0x9;
	_ =	strace $0x80000048  }
0xb2: {  	_ =	swait.ge [sflag:s29], $0x1  }
0xb3: {  	[sflag:s29] =	ssyncadd.s32 $0xFFFFFFFF  }
0xb4: {  	_ =	strace $0x90000048  }
0xb5: {  	_ =	sfence  }
0xb6: {  	s30 =	sld [smem:$0x0];
	_ =	sdelay $0x2  }
0xb7: {  	s31 =	sshll.u32 s1, $0xD;
	s1 =	sshrl.u32 s1, $0x2  }
0xb8: {  	s3 =	sand.u32 $0x4000, s31;
	s1 =	sadd.s32 s1, s30  }
0xb9: {  	s0 =	sor.u32 s3, s0;
	s1 =	sshll.u32 s1, $0x11  }
0xba: {  	s0 =	sor.u32 s1, s0  }
0xbb: {  	s0 =	sadd.s32 $0x8F2B, s0  }
0xbc: {  	[sflag:s0] =	ssyncadd.remote.s32 $0x1  }
0xbd: {  	_ =	sfence.sel $0xFFFF  }
0xbe: {  	[dreg:$0x0] =	wrdreg $0xFFFFFFFF;
	(pc) =	sbr.abs _section_cstart, $3  }
0xbf: {  	[dreg:$0x1] =	wrdreg $0xFFFFFFFF  }
0xc0: {  	_ =	task.clear_ibuf [dreg:s6], $0x2FFFF;
	_ =	strace $0x9FFFFFFF  }
0xc1: {  	(tm) =	ssettm $0x7FFFFFFF  }
tec
execute0_lowered:
.L_overlay_start_1:
0x0: {  	(tag) =	ssettag $0x1  }
0x1: {  	s1 =	rddreg [dreg:$0x0];
	s3 =	simm.s32 $0x0  }
0x2: {  	s0 =	srdreg.scid;
	s6 =	stileid.u32;
	s14 =	simm.s32 $0x80  }
0x3: {  	s15 =	simm.s32 $0x400;
	s16 =	simm.s32 $0xA200;
	s17 =	simm.s32 $0xF300  }
0x4: {  	s18 =	simm.s32 $0x3;
	s19 =	simm.s32 $0x3600;
	s20 =	simm.s32 $0x6C00  }
0x5: {  	s21 =	simm.s32 $0x1;
	s22 =	simm.s32 $0x2;
	s23 =	simm.s32 $0x14400  }
0x6: {  	s24 =	simm.s32 $0x19500;
	s25 =	simm.s32 $0x1E600;
	s26 =	simm.s32 $0x0  }
0x7: {  	[smem:$0x7FF] =	sst s3;
	s0 =	sand.u32 $0x1, s0;
	s4 =	sshll.u32 s6, $0x1  }
0x8: {  	s5 =	sadd.s32 $0x143800, s1;
	s7 =	sshrl.u32 s6, $0x2;
	s6 =	sadd.s32 $0xA3000, s1  }
0x9: {  	s8 =	sadd.s32 $0xA2000, s1;
	_ =	strace $0x80000047;
	s2 =	sor.u32 s0, s4  }
0xa: {  	s10 =	smul.u32 $0x28800, s7;
	s0 =	ssub.s32 $0x2, s0;
	s9 =	sshll.u32 s2, $0x7  }
0xb: {  	s7 =	sadd.s32 $0xA2800, s1;
	s11 =	sshrl.u32 s0, $0x1;
	s9 =	sand.u32 $0x380, s9  }
0xc: {  	s2 =	sshll.u32 s2, $0x1;
	s0 =	ssub.s32 s0, s11;
	s10 =	sor.u32 s10, s9  }
0xd: {  	v1 =	vlaneseq.u32;
	s2 =	sadd.s32 s2, s1;
	s13 =	smax.u32 s0, $0x1;
	s12 =	sshrl.u32 s10, $0x3  }
0xe: {  	v0 =	vimm.f32 $0.0e+00;
	v1 =	vmul.u32 $0x3, v1;
	s10 =	sadd.s32 s5, s12;
	s11 =	sadd.s32 s1, s12;
	s12 =	sadd.s32 $0xA3800, s2  }
.LBB2_1:
0xf: {  	[tilespmem:s16], [sflag:$0x1] =	stream.strided.gather [hbm4b:s10+s14], $0x5100, s15, s14, $0x38;
	[tilespmem:$0x1E680] =	vst v63  }
0x10: {  	_ = 	snop  }
0x11: {  	[tilespmem:s17], [sflag:$0x2] =	stream.strided.gather [hbm4b:s11+s14], $0x5100, s15, s14, $0x38;
	[tilespmem:$0x1E680] =	vst v63  }
0x12: {  	_ = 	snop  }
0x13: {  	[tilespmem:s3], [sflag:$0x3] =	stream.linear.gather [hbm4b:s6+s3], $0x3600, $0x38;
	[tilespmem:$0x1E680] =	vst v63  }
0x14: {  	_ =	swait.ge [sflag:s18], $0x3600  }
0x15: {  	[sflag:s18] =	ssyncset.done $0x0  }
0x16: {  	[sflag:s18] =	ssyncadd.s32 $0xFFFFCA00  }
0x17: {  	[tilespmem:s19], [sflag:$0x3] =	stream.linear.gather [hbm4b:s7+s3], $0x3600, $0x38;
	[tilespmem:$0x1E680] =	vst v63  }
0x18: {  	_ =	swait.ge [sflag:s18], $0x3600  }
0x19: {  	[sflag:s18] =	ssyncset.done $0x0  }
0x1a: {  	[sflag:s18] =	ssyncadd.s32 $0xFFFFCA00  }
0x1b: {  	[tilespmem:s20], [sflag:$0x3] =	stream.linear.gather [hbm4b:s8+s3], $0x3600, $0x38;
	[tilespmem:$0x1E680] =	vst v63  }
0x1c: {  	_ =	swait.ge [sflag:s18], $0x3600  }
0x1d: {  	[sflag:s18] =	ssyncset.done $0x0  }
0x1e: {  	s0 =	simm.s32 $0x14440;
	[sflag:s18] =	ssyncadd.s32 $0xFFFFCA00  }
0x1f: {  	[tilespmem:s0+$0x30] =	vst v0  }
0x20: {  	[tilespmem:s0+$0xFFFFFFF0] =	vst v0  }
0x21: {  	[tilespmem:s0+$0xFFFFFFC0] =	vst v0  }
0x22: {  	[tilespmem:s0+$0xFFFFFFE0] =	vst v0  }
0x23: {  	[tilespmem:s0+$0x10] =	vst v0  }
0x24: {  	[tilespmem:s0+$0x20] =	vst v0  }
0x25: {  	[tilespmem:s0+$0x0] =	vst v0  }
0x26: {  	s2 =	simm.s32 $0x19540;
	[tilespmem:s0+$0xFFFFFFD0] =	vst v0  }
0x27: {  	[tilespmem:s2+$0xFFFFFFC0] =	vst v0  }
0x28: {  	[tilespmem:s2+$0x30] =	vst v0  }
0x29: {  	[tilespmem:s2+$0x20] =	vst v0  }
0x2a: {  	[tilespmem:s2+$0x10] =	vst v0  }
0x2b: {  	[tilespmem:s2+$0xFFFFFFE0] =	vst v0  }
0x2c: {  	[tilespmem:s2+$0x0] =	vst v0  }
0x2d: {  	s29 =	simm.s32 $0x0;
	[tilespmem:s2+$0xFFFFFFF0] =	vst v0  }
.LBB2_2:
0x2e: {  	s29 =	sadd.s32 $0x8, s29;
	[tilespmem:s2+$0xFFFFFFD0] =	vst v0;
	s0 =	sadd.s32 $0x80, s0;
	s2 =	sadd.s32 $0x80, s2  }
0x2f: {  	[tilespmem:s0+$0x30] =	vst v0;
	p0 =	slt.u32 s29, $0x500  }
0x30: {  	[tilespmem:s0+$0xFFFFFFF0] =	vst v0  }
0x31: {  	[tilespmem:s0+$0xFFFFFFC0] =	vst v0  }
0x32: {  	[tilespmem:s2+$0xFFFFFFC0] =	vst v0  }
0x33: {  	[tilespmem:s2+$0x30] =	vst v0  }
0x34: {  	[tilespmem:s0+$0xFFFFFFE0] =	vst v0  }
0x35: {  	[tilespmem:s0+$0x10] =	vst v0  }
0x36: {  	[tilespmem:s0+$0x20] =	vst v0  }
0x37: {  	[tilespmem:s2+$0x20] =	vst v0  }
0x38: {  	[tilespmem:s2+$0x10] =	vst v0  }
.Ltmp0:
0x39: {  	[tilespmem:s2+$0xFFFFFFE0] =	vst v0;
	(pc) =	sbr.rel @p0 .LBB2_2-.Ltmp0, $4  }
0x3a: {  	[tilespmem:s0+$0x0] =	vst v0  }
0x3b: {  	[tilespmem:s2+$0x0] =	vst v0  }
0x3c: {  	[tilespmem:s2+$0xFFFFFFF0] =	vst v0  }
0x3d: {  	s28 =	simm.s32 $0x0;
	[tilespmem:s0+$0xFFFFFFD0] =	vst v0  }
0x3e: {  	[tilespmem:s2+$0xFFFFFFD0] =	vst v0;
	s0 =	simm.s32 $0x0  }
.LBB2_4:
0x3f: {  	p0 =	sne.s32 s0, $0x100  }
.Ltmp1:
0x40: {  	_ = 	snop;
	(pc) =	sbr.rel @p0 .LBB2_4-.Ltmp1, $4  }
0x41: {  	_ = 	snop  }
0x42: {  	s2 =	sshra.s32 s0, $0x2;
	v2 =	vimm.f32 $0.0e+00  }
0x43: {  	[tilespmem:s2+$0x19480] =	vst v2  }
0x44: {  	s0 =	sadd.s32 $0x40, s0;
	[tilespmem:s2+$0x1E580] =	vst v2  }
.LBB2_5:
0x45: {  	_ =	swait.ge [sflag:s21], $0x5100  }
0x46: {  	[sflag:s21] =	ssyncset.done $0x0  }
0x47: {  	[sflag:s21] =	ssyncadd.s32 $0xFFFFAF00  }
0x48: {  	_ =	swait.ge [sflag:s22], $0x5100  }
0x49: {  	[sflag:s22] =	ssyncset.done $0x0  }
0x4a: {  	s0 =	simm.s32 $0x10;
	[sflag:s22] =	ssyncadd.s32 $0xFFFFAF00  }
0x4b: {  	v12 =	vld [tilespmem:s0+$0x0]  }
0x4c: {  	s29 =	simm.s32 $0x3610;
	v3 =	vld [tilespmem:s0+$0xFFFFFFF0]  }
0x4d: {  	v13 =	vld [tilespmem:s29+$0x0]  }
0x4e: {  	s30 =	simm.s32 $0x6C10  }
0x4f: {  	v14 =	vld [tilespmem:s30+$0x0]  }
0x50: {  	v15 =	vadd.s32 $0x1, v12  }
0x51: {  	v16 =	vadd.s32 $0x2, v12  }
0x52: {  	v4 =	vld [tilespmem:s29+$0xFFFFFFF0];
	v17 =	vadd.s32 $0x1, v13  }
0x53: {  	v7 =	vld [tilespmem:s30+$0xFFFFFFF0];
	v18 =	vadd.s32 $0x2, v13  }
0x54: {  	v20 =	vadd.s32 $0x1, v14;
	v19 =	vld.idx.msk [tilespmem:v3+s16+$0x0], $0xffff  }
0x55: {  	v22 =	vadd.s32 $0x2, v14;
	v21 =	vld.idx.msk [tilespmem:v15+s16+$0x0], $0xffff  }
0x56: {  	v6 =	vadd.s32 $0x1, v3;
	v23 =	vld.idx.msk [tilespmem:v16+s16+$0x0], $0xffff  }
0x57: {  	v5 =	vadd.s32 $0x2, v3;
	v24 =	vld.idx.msk [tilespmem:v17+s16+$0x0], $0xffff  }
0x58: {  	v9 =	vadd.s32 $0x1, v4;
	v25 =	vld.idx.msk [tilespmem:v18+s16+$0x0], $0xffff  }
0x59: {  	v8 =	vadd.s32 $0x2, v4;
	v26 =	vld.idx.msk [tilespmem:v20+s16+$0x0], $0xffff  }
0x5a: {  	v11 =	vadd.s32 $0x1, v7;
	v27 =	vld.idx.msk [tilespmem:v22+s16+$0x0], $0xffff  }
0x5b: {  	v10 =	vadd.s32 $0x2, v7;
	v31 =	vld.idx.msk [tilespmem:v6+s16+$0x0], $0xffff  }
0x5c: {  	v32 =	vld.idx.msk [tilespmem:v5+s16+$0x0], $0xffff  }
0x5d: {  	v33 =	vld.idx.msk [tilespmem:v9+s16+$0x0], $0xffff  }
0x5e: {  	v62 =	vld.idx.msk [tilespmem:v8+s16+$0x0], $0xffff  }
0x5f: {  	v63 =	vld.idx.msk [tilespmem:v11+s16+$0x0], $0xffff  }
0x60: {  	v36 =	vld.idx.msk [tilespmem:v10+s16+$0x0], $0xffff  }
0x61: {  	v28 =	vld.idx.msk [tilespmem:v12+s16+$0x0], $0xffff  }
0x62: {  	v29 =	vld.idx.msk [tilespmem:v13+s16+$0x0], $0xffff;
	v24 =	vsub.f32 v24, v21;
	v25 =	vsub.f32 v25, v23  }
0x63: {  	v30 =	vld.idx.msk [tilespmem:v14+s16+$0x0], $0xffff;
	v21 =	vsub.f32 v26, v21;
	v23 =	vsub.f32 v27, v23  }
0x64: {  	v40 =	vld.idx.msk [tilespmem:v4+s16+$0x0], $0xffff;
	v42 =	vsub.f32 v33, v31;
	v43 =	vsub.f32 v62, v32  }
0x65: {  	v41 =	vld.idx.msk [tilespmem:v7+s16+$0x0], $0xffff;
	v27 =	vsub.f32 v63, v31;
	v45 =	vsub.f32 v36, v32  }
0x66: {  	v34 =	vmul.f32 v23, v24;
	v35 =	vmul.f32 v21, v25  }
0x67: {  	v32 =	vmul.f32 v45, v42;
	v48 =	vmul.f32 v27, v43  }
0x68: {  	v29 =	vsub.f32 v29, v28;
	v34 =	vsub.f32 v34, v35  }
0x69: {  	v28 =	vsub.f32 v30, v28;
	v32 =	vsub.f32 v32, v48  }
0x6a: {  	v30 =	vsub.f32 v40, v19;
	v19 =	vsub.f32 v41, v19;
	[tilespmem:v12+s23+$0x0] =	vst.idx.add.f32.msk $0xffff, v34  }
0x6b: {  	v25 =	vmul.f32 v28, v25;
	v23 =	vmul.f32 v23, v29;
	[tilespmem:v3+s23+$0x0] =	vst.idx.add.f32.msk $0xffff, v32  }
0x6c: {  	v24 =	vmul.f32 v28, v24;
	v28 =	vmul.f32 v45, v30;
	[tilespmem:v13+s23+$0x0] =	vst.idx.add.f32.msk $0xffff, v34  }
0x6d: {  	v23 =	vsub.f32 v25, v23;
	v25 =	vmul.f32 v19, v43;
	[tilespmem:v4+s23+$0x0] =	vst.idx.add.f32.msk $0xffff, v32  }
0x6e: {  	[tilespmem:v14+s23+$0x0] =	vst.idx.add.f32.msk $0xffff, v34  }
0x6f: {  	v52 =	vsub.f32 v25, v28;
	[tilespmem:v7+s23+$0x0] =	vst.idx.add.f32.msk $0xffff, v32  }
0x70: {  	[tilespmem:v15+s23+$0x0] =	vst.idx.add.f32.msk $0xffff, v23  }
0x71: {  	[tilespmem:v6+s23+$0x0] =	vst.idx.add.f32.msk $0xffff, v52  }
0x72: {  	v21 =	vmul.f32 v21, v29;
	[tilespmem:v17+s23+$0x0] =	vst.idx.add.f32.msk $0xffff, v23  }
0x73: {  	[tilespmem:v9+s23+$0x0] =	vst.idx.add.f32.msk $0xffff, v52  }
0x74: {  	v21 =	vsub.f32 v21, v24;
	[tilespmem:v20+s23+$0x0] =	vst.idx.add.f32.msk $0xffff, v23  }
0x75: {  	[tilespmem:v11+s23+$0x0] =	vst.idx.add.f32.msk $0xffff, v52  }
0x76: {  	[tilespmem:v16+s23+$0x0] =	vst.idx.add.f32.msk $0xffff, v21  }
0x77: {  	[tilespmem:v18+s23+$0x0] =	vst.idx.add.f32.msk $0xffff, v21  }
0x78: {  	[tilespmem:v22+s23+$0x0] =	vst.idx.add.f32.msk $0xffff, v21  }
0x79: {  	v21 =	vld.idx.msk [tilespmem:v15+s17+$0x0], $0xffff  }
0x7a: {  	v23 =	vld.idx.msk [tilespmem:v16+s17+$0x0], $0xffff  }
0x7b: {  	v44 =	vld.idx.msk [tilespmem:v17+s17+$0x0], $0xffff  }
0x7c: {  	v46 =	vld.idx.msk [tilespmem:v18+s17+$0x0], $0xffff  }
0x7d: {  	v47 =	vld.idx.msk [tilespmem:v20+s17+$0x0], $0xffff  }
0x7e: {  	v27 =	vmul.f32 v27, v30;
	v19 =	vmul.f32 v19, v42;
	v34 =	vld.idx.msk [tilespmem:v22+s17+$0x0], $0xffff  }
0x7f: {  	v49 =	vld.idx.msk [tilespmem:v12+s17+$0x0], $0xffff  }
0x80: {  	v19 =	vsub.f32 v27, v19;
	v50 =	vld.idx.msk [tilespmem:v13+s17+$0x0], $0xffff  }
0x81: {  	v51 =	vld.idx.msk [tilespmem:v14+s17+$0x0], $0xffff  }
0x82: {  	[tilespmem:v5+s23+$0x0] =	vst.idx.add.f32.msk $0xffff, v19;
	v53 =	vsub.f32 v44, v21;
	v54 =	vsub.f32 v46, v23  }
0x83: {  	[tilespmem:v8+s23+$0x0] =	vst.idx.add.f32.msk $0xffff, v19;
	v21 =	vsub.f32 v47, v21;
	v23 =	vsub.f32 v34, v23  }
0x84: {  	[tilespmem:v10+s23+$0x0] =	vst.idx.add.f32.msk $0xffff, v19  }
0x85: {  	v19 =	vld.idx.msk [tilespmem:v4+s17+$0x0], $0xffff;
	v55 =	vmul.f32 v23, v53;
	v56 =	vmul.f32 v21, v54  }
0x86: {  	v59 =	vld.idx.msk [tilespmem:v8+s17+$0x0], $0xffff;
	v57 =	vsub.f32 v50, v49;
	v58 =	vsub.f32 v51, v49  }
0x87: {  	v60 =	vld.idx.msk [tilespmem:v7+s17+$0x0], $0xffff;
	v27 =	vsub.f32 v55, v56  }
0x88: {  	v62 =	vld.idx.msk [tilespmem:v11+s17+$0x0], $0xffff;
	v26 =	vmul.f32 v58, v54;
	v23 =	vmul.f32 v23, v57  }
0x89: {  	[tilespmem:v12+s24+$0x0] =	vst.idx.add.f32.msk $0xffff, v27  }
0x8a: {  	v12 =	vsub.f32 v26, v23;
	v23 =	vld.idx.msk [tilespmem:v9+s17+$0x0], $0xffff  }
0x8b: {  	[tilespmem:v13+s24+$0x0] =	vst.idx.add.f32.msk $0xffff, v27  }
0x8c: {  	v13 =	vld.idx.msk [tilespmem:v3+s17+$0x0], $0xffff  }
0x8d: {  	[tilespmem:v14+s24+$0x0] =	vst.idx.add.f32.msk $0xffff, v27  }
0x8e: {  	v14 =	vld.idx.msk [tilespmem:v6+s17+$0x0], $0xffff  }
0x8f: {  	[tilespmem:v15+s24+$0x0] =	vst.idx.add.f32.msk $0xffff, v12  }
0x90: {  	v21 =	vmul.f32 v21, v57;
	v61 =	vmul.f32 v58, v53;
	v15 =	vld.idx.msk [tilespmem:v5+s17+$0x0], $0xffff  }
0x91: {  	v63 =	vld.idx.msk [tilespmem:v10+s17+$0x0], $0xffff  }
0x92: {  	v24 =	vsub.f32 v21, v61;
	[tilespmem:v17+s24+$0x0] =	vst.idx.add.f32.msk $0xffff, v12  }
0x93: {  	[tilespmem:v20+s24+$0x0] =	vst.idx.add.f32.msk $0xffff, v12  }
0x94: {  	[tilespmem:v16+s24+$0x0] =	vst.idx.add.f32.msk $0xffff, v24;
	v16 =	vsub.f32 v60, v13  }
0x95: {  	v17 =	vsub.f32 v23, v14;
	v12 =	vsub.f32 v59, v15  }
0x96: {  	v21 =	vsub.f32 v19, v13;
	[tilespmem:v18+s24+$0x0] =	vst.idx.add.f32.msk $0xffff, v24;
	v20 =	vsub.f32 v62, v14  }
0x97: {  	v19 =	vsub.f32 v63, v15;
	v14 =	vmul.f32 v16, v17;
	v13 =	vmul.f32 v16, v12  }
0x98: {  	s31 =	simm.s32 $0x0;
	s0 =	simm.s32 $0x30;
	[tilespmem:v22+s24+$0x0] =	vst.idx.add.f32.msk $0xffff, v24;
	v18 =	vmul.f32 v20, v12;
	v16 =	vmul.f32 v20, v21  }
.LBB2_6:
0x99: {  	v20 =	vld [tilespmem:s0+$0x0];
	v15 =	vmul.f32 v19, v17;
	v17 =	vmul.f32 v19, v21  }
0x9a: {  	s29 =	sadd.s32 $0x20, s29;
	v19 =	vld [tilespmem:s0+$0xFFFFFFF0];
	v12 =	vsub.f32 v16, v14  }
0x9b: {  	v21 =	vld [tilespmem:s29+$0x0];
	v15 =	vsub.f32 v15, v18;
	v13 =	vsub.f32 v13, v17  }
0x9c: {  	s30 =	sadd.s32 $0x20, s30;
	v27 =	vld [tilespmem:s29+$0xFFFFFFF0]  }
0x9d: {  	v23 =	vld [tilespmem:s30+$0x0]  }
0x9e: {  	v29 =	vld [tilespmem:s30+$0xFFFFFFF0];
	v24 =	vadd.s32 $0x1, v20  }
0x9f: {  	v22 =	vadd.s32 $0x2, v20;
	v17 =	vadd.s32 $0x1, v19;
	v14 =	vadd.s32 $0x2, v19;
	[tilespmem:v3+s24+$0x0] =	vst.idx.add.f32.msk $0xffff, v15;
	v3 =	vmovc v19  }
0xa0: {  	v26 =	vadd.s32 $0x1, v21;
	[tilespmem:v4+s24+$0x0] =	vst.idx.add.f32.msk $0xffff, v15  }
0xa1: {  	v25 =	vadd.s32 $0x2, v21;
	v18 =	vadd.s32 $0x1, v27;
	v16 =	vadd.s32 $0x2, v27;
	[tilespmem:v7+s24+$0x0] =	vst.idx.add.f32.msk $0xffff, v15;
	v4 =	vmovc v27  }
0xa2: {  	v30 =	vld.idx.msk [tilespmem:v19+s16+$0x0], $0xffff;
	v28 =	vadd.s32 $0x1, v23  }
0xa3: {  	v27 =	vadd.s32 $0x2, v23;
	v19 =	vadd.s32 $0x1, v29;
	v15 =	vadd.s32 $0x2, v29;
	v31 =	vld.idx.msk [tilespmem:v24+s16+$0x0], $0xffff;
	v7 =	vmovc v29  }
0xa4: {  	v29 =	vld.idx.msk [tilespmem:v22+s16+$0x0], $0xffff  }
0xa5: {  	v32 =	vld.idx.msk [tilespmem:v26+s16+$0x0], $0xffff  }
0xa6: {  	v33 =	vld.idx.msk [tilespmem:v25+s16+$0x0], $0xffff  }
0xa7: {  	v34 =	vld.idx.msk [tilespmem:v28+s16+$0x0], $0xffff  }
0xa8: {  	v35 =	vld.idx.msk [tilespmem:v27+s16+$0x0], $0xffff  }
0xa9: {  	v36 =	vld.idx.msk [tilespmem:v20+s16+$0x0], $0xffff  }
0xaa: {  	v37 =	vld.idx.msk [tilespmem:v21+s16+$0x0], $0xffff  }
0xab: {  	v38 =	vld.idx.msk [tilespmem:v23+s16+$0x0], $0xffff  }
0xac: {  	v39 =	vld.idx.msk [tilespmem:v17+s16+$0x0], $0xffff  }
0xad: {  	v32 =	vsub.f32 v32, v31;
	v33 =	vsub.f32 v33, v29;
	v40 =	vld.idx.msk [tilespmem:v14+s16+$0x0], $0xffff  }
0xae: {  	v31 =	vsub.f32 v34, v31;
	v29 =	vsub.f32 v35, v29;
	v41 =	vld.idx.msk [tilespmem:v18+s16+$0x0], $0xffff  }
0xaf: {  	v34 =	vld.idx.msk [tilespmem:v16+s16+$0x0], $0xffff  }
0xb0: {  	v43 =	vmul.f32 v31, v33;
	v42 =	vmul.f32 v29, v32;
	v35 =	vld.idx.msk [tilespmem:v19+s16+$0x0], $0xffff  }
0xb1: {  	v37 =	vsub.f32 v37, v36;
	v36 =	vsub.f32 v38, v36;
	v44 =	vld.idx.msk [tilespmem:v15+s16+$0x0], $0xffff  }
0xb2: {  	v42 =	vsub.f32 v42, v43;
	v38 =	vld.idx.msk [tilespmem:v4+s16+$0x0], $0xffff  }
0xb3: {  	s31 =	sadd.s32 $0x2, s31;
	v29 =	vmul.f32 v29, v37;
	v33 =	vmul.f32 v36, v33;
	v43 =	vld.idx.msk [tilespmem:v7+s16+$0x0], $0xffff  }
0xb4: {  	p0 =	slt.u32 s31, $0x35A;
	v41 =	vsub.f32 v41, v39;
	[tilespmem:v20+s23+$0x0] =	vst.idx.add.f32.msk $0xffff, v42  }
0xb5: {  	v34 =	vsub.f32 v34, v40;
	v29 =	vsub.f32 v33, v29;
	[tilespmem:v21+s23+$0x0] =	vst.idx.add.f32.msk $0xffff, v42  }
0xb6: {  	v31 =	vmul.f32 v31, v37;
	v32 =	vmul.f32 v36, v32;
	[tilespmem:v23+s23+$0x0] =	vst.idx.add.f32.msk $0xffff, v42  }
0xb7: {  	v33 =	vsub.f32 v35, v39;
	v35 =	vsub.f32 v44, v40;
	[tilespmem:v24+s23+$0x0] =	vst.idx.add.f32.msk $0xffff, v29  }
0xb8: {  	v31 =	vsub.f32 v31, v32;
	v36 =	vsub.f32 v38, v30;
	[tilespmem:v26+s23+$0x0] =	vst.idx.add.f32.msk $0xffff, v29  }
0xb9: {  	v30 =	vsub.f32 v43, v30;
	v32 =	vmul.f32 v35, v41;
	[tilespmem:v28+s23+$0x0] =	vst.idx.add.f32.msk $0xffff, v29  }
0xba: {  	v29 =	vmul.f32 v33, v34;
	v35 =	vmul.f32 v35, v36;
	[tilespmem:v22+s23+$0x0] =	vst.idx.add.f32.msk $0xffff, v31  }
0xbb: {  	v33 =	vmul.f32 v33, v36;
	v34 =	vmul.f32 v30, v34;
	[tilespmem:v25+s23+$0x0] =	vst.idx.add.f32.msk $0xffff, v31  }
0xbc: {  	v30 =	vmul.f32 v30, v41;
	v29 =	vsub.f32 v32, v29;
	[tilespmem:v27+s23+$0x0] =	vst.idx.add.f32.msk $0xffff, v31  }
0xbd: {  	v31 =	vsub.f32 v34, v35;
	v32 =	vld.idx.msk [tilespmem:v24+s17+$0x0], $0xffff  }
0xbe: {  	v30 =	vsub.f32 v33, v30;
	v33 =	vld.idx.msk [tilespmem:v22+s17+$0x0], $0xffff  }
0xbf: {  	v34 =	vld.idx.msk [tilespmem:v26+s17+$0x0], $0xffff  }
0xc0: {  	v35 =	vld.idx.msk [tilespmem:v25+s17+$0x0], $0xffff  }
0xc1: {  	v36 =	vld.idx.msk [tilespmem:v28+s17+$0x0], $0xffff  }
0xc2: {  	v37 =	vld.idx.msk [tilespmem:v27+s17+$0x0], $0xffff  }
0xc3: {  	v38 =	vld.idx.msk [tilespmem:v20+s17+$0x0], $0xffff  }
0xc4: {  	v39 =	vld.idx.msk [tilespmem:v21+s17+$0x0], $0xffff  }
0xc5: {  	v40 =	vld.idx.msk [tilespmem:v23+s17+$0x0], $0xffff  }
0xc6: {  	[tilespmem:v3+s23+$0x0] =	vst.idx.add.f32.msk $0xffff, v29  }
0xc7: {  	v34 =	vsub.f32 v34, v32;
	v35 =	vsub.f32 v35, v33;
	[tilespmem:v4+s23+$0x0] =	vst.idx.add.f32.msk $0xffff, v29  }
0xc8: {  	[tilespmem:v7+s23+$0x0] =	vst.idx.add.f32.msk $0xffff, v29;
	v29 =	vsub.f32 v36, v32;
	v32 =	vsub.f32 v37, v33  }
0xc9: {  	[tilespmem:v17+s23+$0x0] =	vst.idx.add.f32.msk $0xffff, v31  }
0xca: {  	[tilespmem:v18+s23+$0x0] =	vst.idx.add.f32.msk $0xffff, v31;
	v33 =	vmul.f32 v32, v34;
	v36 =	vmul.f32 v29, v35  }
0xcb: {  	v37 =	vsub.f32 v40, v38;
	[tilespmem:v19+s23+$0x0] =	vst.idx.add.f32.msk $0xffff, v31;
	v31 =	vsub.f32 v39, v38  }
0xcc: {  	[tilespmem:v14+s23+$0x0] =	vst.idx.add.f32.msk $0xffff, v30;
	v33 =	vsub.f32 v33, v36  }
0xcd: {  	v35 =	vmul.f32 v37, v35;
	[tilespmem:v16+s23+$0x0] =	vst.idx.add.f32.msk $0xffff, v30;
	v32 =	vmul.f32 v32, v31  }
0xce: {  	[tilespmem:v20+s24+$0x0] =	vst.idx.add.f32.msk $0xffff, v33  }
0xcf: {  	v20 =	vsub.f32 v35, v32;
	[tilespmem:v21+s24+$0x0] =	vst.idx.add.f32.msk $0xffff, v33  }
0xd0: {  	v21 =	vmul.f32 v29, v31;
	v29 =	vmul.f32 v37, v34;
	[tilespmem:v23+s24+$0x0] =	vst.idx.add.f32.msk $0xffff, v33  }
0xd1: {  	[tilespmem:v24+s24+$0x0] =	vst.idx.add.f32.msk $0xffff, v20  }
0xd2: {  	v21 =	vsub.f32 v21, v29;
	[tilespmem:v26+s24+$0x0] =	vst.idx.add.f32.msk $0xffff, v20  }
0xd3: {  	[tilespmem:v28+s24+$0x0] =	vst.idx.add.f32.msk $0xffff, v20  }
0xd4: {  	[tilespmem:v22+s24+$0x0] =	vst.idx.add.f32.msk $0xffff, v21  }
0xd5: {  	[tilespmem:v25+s24+$0x0] =	vst.idx.add.f32.msk $0xffff, v21  }
0xd6: {  	[tilespmem:v27+s24+$0x0] =	vst.idx.add.f32.msk $0xffff, v21  }
0xd7: {  	[tilespmem:v15+s23+$0x0] =	vst.idx.add.f32.msk $0xffff, v30  }
0xd8: {  	v20 =	vld.idx.msk [tilespmem:v3+s17+$0x0], $0xffff  }
0xd9: {  	v22 =	vld.idx.msk [tilespmem:v17+s17+$0x0], $0xffff  }
0xda: {  	v23 =	vld.idx.msk [tilespmem:v14+s17+$0x0], $0xffff  }
0xdb: {  	v21 =	vld.idx.msk [tilespmem:v4+s17+$0x0], $0xffff  }
0xdc: {  	v24 =	vld.idx.msk [tilespmem:v18+s17+$0x0], $0xffff  }
0xdd: {  	v25 =	vld.idx.msk [tilespmem:v16+s17+$0x0], $0xffff  }
0xde: {  	v26 =	vld.idx.msk [tilespmem:v7+s17+$0x0], $0xffff  }
0xdf: {  	v27 =	vld.idx.msk [tilespmem:v19+s17+$0x0], $0xffff  }
0xe0: {  	v28 =	vld.idx.msk [tilespmem:v15+s17+$0x0], $0xffff  }
0xe1: {  	v21 =	vsub.f32 v21, v20;
	[tilespmem:v6+s24+$0x0] =	vst.idx.add.f32.msk $0xffff, v13;
	v6 =	vmov v17  }
0xe2: {  	v17 =	vsub.f32 v24, v22;
	[tilespmem:v9+s24+$0x0] =	vst.idx.add.f32.msk $0xffff, v13;
	v9 =	vmov v18  }
.Ltmp2:
0xe3: {  	v18 =	vsub.f32 v25, v23;
	[tilespmem:v11+s24+$0x0] =	vst.idx.add.f32.msk $0xffff, v13;
	v11 =	vmov v19;
	(pc) =	sbr.rel @p0 .LBB2_6-.Ltmp2, $4  }
0xe4: {  	v20 =	vsub.f32 v26, v20;
	[tilespmem:v5+s24+$0x0] =	vst.idx.add.f32.msk $0xffff, v12;
	v5 =	vmov v14  }
0xe5: {  	v22 =	vsub.f32 v27, v22;
	[tilespmem:v8+s24+$0x0] =	vst.idx.add.f32.msk $0xffff, v12;
	v8 =	vmov v16  }
0xe6: {  	v19 =	vsub.f32 v28, v23;
	v13 =	vmul.f32 v20, v18;
	v14 =	vmul.f32 v20, v17  }
0xe7: {  	s0 =	sadd.s32 $0x20, s0;
	v18 =	vmul.f32 v22, v18;
	v16 =	vmul.f32 v22, v21;
	[tilespmem:v10+s24+$0x0] =	vst.idx.add.f32.msk $0xffff, v12;
	v10 =	vmov v15  }
0xe8: {  	v12 =	vmul.f32 v19, v17;
	_ =	sdelay $0x1  }
0xe9: {  	v12 =	vsub.f32 v12, v18  }
0xea: {  	v15 =	vmul.f32 v19, v21  }
0xeb: {  	[tilespmem:v3+s24+$0x0] =	vst.idx.add.f32.msk $0xffff, v12  }
0xec: {  	v3 =	vsub.f32 v13, v15;
	[tilespmem:v4+s24+$0x0] =	vst.idx.add.f32.msk $0xffff, v12  }
0xed: {  	[tilespmem:v7+s24+$0x0] =	vst.idx.add.f32.msk $0xffff, v12  }
0xee: {  	[tilespmem:v6+s24+$0x0] =	vst.idx.add.f32.msk $0xffff, v3  }
0xef: {  	v4 =	vsub.f32 v16, v14;
	[tilespmem:v9+s24+$0x0] =	vst.idx.add.f32.msk $0xffff, v3  }
0xf0: {  	[tilespmem:v11+s24+$0x0] =	vst.idx.add.f32.msk $0xffff, v3  }
0xf1: {  	[tilespmem:v5+s24+$0x0] =	vst.idx.add.f32.msk $0xffff, v4  }
0xf2: {  	[tilespmem:v8+s24+$0x0] =	vst.idx.add.f32.msk $0xffff, v4  }
0xf3: {  	[tilespmem:v10+s24+$0x0] =	vst.idx.add.f32.msk $0xffff, v4  }
0xf4: {  	v3 =	vld [tilespmem:$0x35C0];
	_ =	sdelay $0x1  }
0xf5: {  	v4 =	vld [tilespmem:$0x6BC0];
	_ =	sdelay $0x1  }
0xf6: {  	v5 =	vld [tilespmem:$0xA1C0]  }
0xf7: {  	v6 =	vadd.s32 $0x1, v3  }
0xf8: {  	v7 =	vadd.s32 $0x2, v3  }
0xf9: {  	v8 =	vadd.s32 $0x1, v4  }
0xfa: {  	v9 =	vadd.s32 $0x2, v4  }
0xfb: {  	v10 =	vadd.s32 $0x1, v5  }
0xfc: {  	v11 =	vadd.s32 $0x2, v5;
	v12 =	vld.idx.msk [tilespmem:v6+s16+$0x0], $0xffff  }
0xfd: {  	v13 =	vld.idx.msk [tilespmem:v7+s16+$0x0], $0xffff  }
0xfe: {  	v14 =	vld.idx.msk [tilespmem:v8+s16+$0x0], $0xffff  }
0xff: {  	v15 =	vld.idx.msk [tilespmem:v9+s16+$0x0], $0xffff  }
0x100: {  	v16 =	vld.idx.msk [tilespmem:v10+s16+$0x0], $0xffff  }
0x101: {  	v17 =	vld.idx.msk [tilespmem:v11+s16+$0x0], $0xffff  }
0x102: {  	v18 =	vld.idx.msk [tilespmem:v3+s16+$0x0], $0xffff  }
0x103: {  	v19 =	vld.idx.msk [tilespmem:v4+s16+$0x0], $0xffff  }
0x104: {  	v20 =	vld.idx.msk [tilespmem:v5+s16+$0x0], $0xffff  }
0x105: {  	v14 =	vsub.f32 v14, v12;
	v15 =	vsub.f32 v15, v13  }
0x106: {  	v12 =	vsub.f32 v16, v12;
	v13 =	vsub.f32 v17, v13;
	_ =	sdelay $0x1  }
0x107: {  	v16 =	vmul.f32 v13, v14;
	v17 =	vmul.f32 v12, v15  }
0x108: {  	v19 =	vsub.f32 v19, v18;
	v18 =	vsub.f32 v20, v18  }
0x109: {  	v16 =	vsub.f32 v16, v17  }
0x10a: {  	v15 =	vmul.f32 v18, v15;
	v13 =	vmul.f32 v13, v19  }
0x10b: {  	[tilespmem:v3+s23+$0x0] =	vst.idx.add.f32.msk $0xffff, v16  }
0x10c: {  	v13 =	vsub.f32 v15, v13;
	[tilespmem:v4+s23+$0x0] =	vst.idx.add.f32.msk $0xffff, v16  }
0x10d: {  	v12 =	vmul.f32 v12, v19;
	v14 =	vmul.f32 v18, v14;
	[tilespmem:v5+s23+$0x0] =	vst.idx.add.f32.msk $0xffff, v16  }
0x10e: {  	[tilespmem:v6+s23+$0x0] =	vst.idx.add.f32.msk $0xffff, v13  }
0x10f: {  	v12 =	vsub.f32 v12, v14;
	[tilespmem:v8+s23+$0x0] =	vst.idx.add.f32.msk $0xffff, v13  }
0x110: {  	[tilespmem:v10+s23+$0x0] =	vst.idx.add.f32.msk $0xffff, v13  }
0x111: {  	[tilespmem:v7+s23+$0x0] =	vst.idx.add.f32.msk $0xffff, v12  }
0x112: {  	[tilespmem:v9+s23+$0x0] =	vst.idx.add.f32.msk $0xffff, v12  }
0x113: {  	[tilespmem:v11+s23+$0x0] =	vst.idx.add.f32.msk $0xffff, v12  }
0x114: {  	v12 =	vld.idx.msk [tilespmem:v6+s17+$0x0], $0xffff  }
0x115: {  	v13 =	vld.idx.msk [tilespmem:v7+s17+$0x0], $0xffff  }
0x116: {  	v14 =	vld.idx.msk [tilespmem:v8+s17+$0x0], $0xffff  }
0x117: {  	v15 =	vld.idx.msk [tilespmem:v9+s17+$0x0], $0xffff  }
0x118: {  	v16 =	vld.idx.msk [tilespmem:v10+s17+$0x0], $0xffff  }
0x119: {  	v17 =	vld.idx.msk [tilespmem:v11+s17+$0x0], $0xffff  }
0x11a: {  	v18 =	vld.idx.msk [tilespmem:v3+s17+$0x0], $0xffff  }
0x11b: {  	v19 =	vld.idx.msk [tilespmem:v4+s17+$0x0], $0xffff  }
0x11c: {  	v20 =	vld.idx.msk [tilespmem:v5+s17+$0x0], $0xffff  }
0x11d: {  	v14 =	vsub.f32 v14, v12;
	v15 =	vsub.f32 v15, v13  }
0x11e: {  	v12 =	vsub.f32 v16, v12;
	v13 =	vsub.f32 v17, v13;
	_ =	sdelay $0x1  }
0x11f: {  	v16 =	vmul.f32 v13, v14;
	v17 =	vmul.f32 v12, v15  }
0x120: {  	v19 =	vsub.f32 v19, v18;
	v18 =	vsub.f32 v20, v18  }
0x121: {  	s28 =	sadd.s32 $0x1, s28;
	v16 =	vsub.f32 v16, v17  }
0x122: {  	p0 =	slt.s32 s28, $0x7;
	s0 =	smov.u32 s28;
	v15 =	vmul.f32 v18, v15;
	v13 =	vmul.f32 v13, v19  }
0x123: {  	s0 =	simm.s32 @!p0 $0x7;
	[tilespmem:v3+s24+$0x0] =	vst.idx.add.f32.msk $0xffff, v16  }
0x124: {  	s0 =	sshll.u32 s0, $0x5;
	v3 =	vsub.f32 v15, v13;
	[tilespmem:v4+s24+$0x0] =	vst.idx.add.f32.msk $0xffff, v16  }
0x125: {  	s0 =	sor.u32 s4, s0;
	v4 =	vmul.f32 v12, v19;
	v12 =	vmul.f32 v18, v14;
	[tilespmem:v5+s24+$0x0] =	vst.idx.add.f32.msk $0xffff, v16  }
0x126: {  	s0 =	sshrl.u32 s0, $0x3;
	[tilespmem:v6+s24+$0x0] =	vst.idx.add.f32.msk $0xffff, v3  }
0x127: {  	s0 =	smul.u32 $0x28800, s0;
	v4 =	vsub.f32 v4, v12;
	[tilespmem:v8+s24+$0x0] =	vst.idx.add.f32.msk $0xffff, v3  }
0x128: {  	[tilespmem:v10+s24+$0x0] =	vst.idx.add.f32.msk $0xffff, v3  }
0x129: {  	s2 =	simm.s32 $0x0;
	s0 =	sor.u32 s9, s0;
	v6 =	vadd.s32 $0x2, v1;
	[tilespmem:v7+s24+$0x0] =	vst.idx.add.f32.msk $0xffff, v4  }
0x12a: {  	s0 =	sshrl.u32 s0, $0x3;
	v3 =	vadd.s32 s2, v6;
	[tilespmem:v9+s24+$0x0] =	vst.idx.add.f32.msk $0xffff, v4  }
0x12b: {  	s29 =	sadd.s32 s5, s0;
	v8 =	vadd.s32 $0x1, v1;
	[tilespmem:v11+s24+$0x0] =	vst.idx.add.f32.msk $0xffff, v4  }
0x12c: {  	v5 =	vadd.s32 s2, v8;
	[tilespmem:s16], [sflag:$0x1] =	stream.strided.gather [hbm4b:s29+s14], $0x5100, s15, s14, $0x38;
	[tilespmem:$0x1E680] =	vst v63  }
0x12d: {  	s0 =	sadd.s32 s1, s0  }
0x12e: {  	v4 =	vadd.s32 s2, v1;
	[tilespmem:s17], [sflag:$0x2] =	stream.strided.gather [hbm4b:s0+s14], $0x5100, s15, s14, $0x38;
	[tilespmem:$0x1E680] =	vst v63  }
0x12f: {  	s2 =	simm.s32 $0x30;
	v18 =	vld.idx.msk [tilespmem:v3+s23+$0x0], $0xffff  }
0x130: {  	v9 =	vadd.s32 s2, v1;
	v20 =	vld.idx.msk [tilespmem:v3+s24+$0x0], $0xffff  }
0x131: {  	v24 =	vld.idx.msk [tilespmem:v5+s23+$0x0], $0xffff  }
0x132: {  	v3 =	vadd.s32 s2, v8;
	v26 =	vld.idx.msk [tilespmem:v5+s24+$0x0], $0xffff  }
0x133: {  	v21 =	vld.idx.msk [tilespmem:v4+s23+$0x0], $0xffff  }
0x134: {  	v23 =	vld.idx.msk [tilespmem:v4+s24+$0x0], $0xffff;
	v4 =	vadd.s32 s2, v6  }
0x135: {  	v5 =	vld.idx.msk [tilespmem:v9+s23+$0x0], $0xffff  }
0x136: {  	v10 =	vld.idx.msk [tilespmem:v9+s24+$0x0], $0xffff  }
0x137: {  	v7 =	vld.idx.msk [tilespmem:v3+s23+$0x0], $0xffff  }
0x138: {  	v13 =	vld.idx.msk [tilespmem:v3+s24+$0x0], $0xffff;
	v3 =	vmul.f32 v18, v18  }
0x139: {  	v15 =	vmul.f32 v24, v24;
	v17 =	vmul.f32 v26, v26;
	v11 =	vld.idx.msk [tilespmem:v4+s24+$0x0], $0xffff  }
0x13a: {  	v9 =	vld.idx.msk [tilespmem:v4+s23+$0x0], $0xffff;
	v14 =	vmul.f32 v21, v21;
	v4 =	vmul.f32 v23, v23  }
0x13b: {  	v12 =	vmul.f32 v20, v20;
	v19 =	vmul.f32 v5, v5  }
0x13c: {  	s0 =	simm.s32 $0x60;
	s2 =	simm.s32 $0x14430;
	v14 =	vadd.f32 v15, v14;
	v15 =	vmul.f32 v10, v10;
	v4 =	vadd.f32 v17, v4  }
0x13d: {  	v16 =	vadd.s32 s0, v6;
	[tilespmem:s2+$0xFFFFFFD0] =	vst v0;
	v22 =	vmul.f32 v7, v7;
	v17 =	vmul.f32 v13, v13  }
0x13e: {  	[tilespmem:s2+$0xFFFFFFE0] =	vst v0;
	v3 =	vadd.f32 v3, v14;
	v4 =	vadd.f32 v12, v4;
	v12 =	vmul.f32 v11, v11  }
0x13f: {  	s29 =	simm.s32 $0x19530;
	[tilespmem:s2+$0xFFFFFFF0] =	vst v0;
	v19 =	vadd.f32 v22, v19;
	v22 =	vmul.f32 v9, v9;
	v14 =	vadd.f32 v17, v15  }
0x140: {  	[tilespmem:s29+$0xFFFFFFD0] =	vst v0;
	v15 =	vadd.s32 s0, v1;
	v3 =	vmax.f32 v3, $1.000000020e-16  }
0x141: {  	[tilespmem:s29+$0xFFFFFFE0] =	vst v0;
	v4 =	vmax.f32 v4, $1.000000020e-16;
	v17 =	vadd.f32 v22, v19;
	v12 =	vadd.f32 v12, v14  }
0x142: {  	[tilespmem:s29+$0xFFFFFFF0] =	vst v0;
	v14 =	vmul.f32 v4, v3  }
0x143: {  	[tilespmem:s2+$0x0] =	vst v0;
	v19 =	vadd.s32 s0, v8;
	v3 =	vld.idx.msk [tilespmem:v16+s23+$0x0], $0xffff;
	v4 =	vmax.f32 v17, $1.000000020e-16;
	v12 =	vmax.f32 v12, $1.000000020e-16  }
0x144: {  	s30 =	simm.s32 $0x90;
	[tilespmem:s2+$0x10] =	vst v0;
	v17 =	vshra.s32 v14, $0x1;
	v12 =	vmul.f32 v12, v4;
	v4 =	vld.idx.msk [tilespmem:v16+s24+$0x0], $0xffff;
	v16 =	vmul.f32 $5.000000000e-01, v14  }
0x145: {  	[tilespmem:s2+$0x20] =	vst v0;
	v22 =	vadd.s32 s30, v1;
	v27 =	vsub.s32 $0x5F3759DF, v17  }
0x146: {  	[tilespmem:s29+$0x0] =	vst v0;
	v14 =	vld.idx.msk [tilespmem:v15+s23+$0x0], $0xffff;
	v25 =	vshra.s32 v12, $0x1;
	v12 =	vmul.f32 $5.000000000e-01, v12;
	v28 =	vmul.f32 v27, v16  }
0x147: {  	v30 =	vadd.s32 s30, v8;
	[tilespmem:s29+$0x10] =	vst v0;
	v17 =	vld.idx.msk [tilespmem:v15+s24+$0x0], $0xffff;
	v29 =	vsub.s32 $0x5F3759DF, v25  }
0x148: {  	[tilespmem:s29+$0x20] =	vst v0;
	s29 =	simm.s32 $0x14490;
	v15 =	vld.idx.msk [tilespmem:v19+s23+$0x0], $0xffff;
	v28 =	vmul.f32 v27, v28;
	v31 =	vmul.f32 v29, v12  }
0x149: {  	v18 =	vmul.f32 v20, v18;
	v26 =	vmul.f32 v26, v24;
	v19 =	vld.idx.msk [tilespmem:v19+s24+$0x0], $0xffff;
	[tilespmem:s29+$0xFFFFFFD0] =	vst v0  }
0x14a: {  	[tilespmem:s29+$0xFFFFFFE0] =	vst v0;
	v25 =	vmul.f32 v23, v21;
	v32 =	vsub.f32 $1.500000000e+00, v28;
	v33 =	vmul.f32 v29, v31  }
0x14b: {  	[tilespmem:s29+$0xFFFFFFF0] =	vst v0;
	v20 =	vld.idx.msk [tilespmem:v22+s23+$0x0], $0xffff;
	v23 =	vmul.f32 v3, v3;
	v24 =	vmul.f32 v4, v4;
	v31 =	vadd.s32 s30, v6;
	s30 =	simm.s32 $0x19590  }
0x14c: {  	s31 =	simm.s32 $0x2;
	v21 =	vld.idx.msk [tilespmem:v30+s23+$0x0], $0xffff;
	v28 =	vmul.f32 v14, v14;
	[tilespmem:s30+$0xFFFFFFD0] =	vst v0;
	v27 =	vmul.f32 v27, v32;
	v32 =	vsub.f32 $1.500000000e+00, v33  }
.LBB2_8:
0x14d: {  	v33 =	vmul.f32 v15, v15;
	v34 =	vmul.f32 v17, v17;
	[tilespmem:s30+$0xFFFFFFE0] =	vst v0;
	v35 =	vld.idx.msk [tilespmem:v22+s24+$0x0], $0xffff  }
0x14e: {  	s0 =	sadd.s32 $0x60, s0;
	[tilespmem:s30+$0xFFFFFFF0] =	vst v0;
	v22 =	vmul.f32 v27, v16;
	v29 =	vmul.f32 v29, v32;
	v32 =	vmov v14  }
0x14f: {  	v37 =	vmul.f32 v11, v9;
	v38 =	vmovc v17;
	v14 =	vadd.s32 s0, v6;
	v36 =	vmul.f32 v19, v19;
	v30 =	vld.idx.msk [tilespmem:v30+s24+$0x0], $0xffff  }
0x150: {  	v39 =	vmovc v15;
	v17 =	vadd.s32 s0, v1;
	v40 =	vmovc v19;
	v11 =	vmul.f32 v22, v27;
	v22 =	vmul.f32 v29, v12  }
0x151: {  	v15 =	vmul.f32 v10, v5;
	v13 =	vmul.f32 v13, v7;
	v19 =	vadd.s32 s0, v8;
	v5 =	vmovc v20;
	v9 =	vld.idx.msk [tilespmem:v31+s23+$0x0], $0xffff  }
0x152: {  	s2 =	sadd.s32 $0x30, s0;
	v20 =	vmul.f32 v20, v5;
	v7 =	vmovc v21;
	v42 =	vsub.f32 $1.500000000e+00, v11;
	v41 =	vmul.f32 v22, v29  }
0x153: {  	v22 =	vadd.s32 s2, v1;
	v21 =	vmul.f32 v21, v7;
	v11 =	vld.idx.msk [tilespmem:v31+s24+$0x0], $0xffff;
	v31 =	vmul.f32 v35, v35;
	[tilespmem:s29+$0x0] =	vst v0  }
0x154: {  	v25 =	vadd.f32 v26, v25;
	v10 =	vmovc v35;
	[tilespmem:s29+$0x10] =	vst v0;
	v26 =	vmul.f32 v42, v27;
	v27 =	vsub.f32 $1.500000000e+00, v41  }
0x155: {  	v28 =	vadd.f32 v33, v28;
	v33 =	vadd.f32 v36, v34;
	v34 =	vmul.f32 v30, v30;
	[tilespmem:s29+$0x20] =	vst v0  }
0x156: {  	v15 =	vadd.f32 v13, v15;
	[tilespmem:s30+$0x0] =	vst v0;
	v16 =	vmul.f32 v26, v16;
	v27 =	vmul.f32 v27, v29  }
0x157: {  	v20 =	vadd.f32 v21, v20;
	v21 =	vmul.f32 v9, v9;
	v29 =	vadd.f32 v34, v31;
	[tilespmem:s30+$0x10] =	vst v0  }
0x158: {  	v18 =	vadd.f32 v18, v25;
	[tilespmem:s30+$0x20] =	vst v0;
	v16 =	vmul.f32 v16, v26;
	v12 =	vmul.f32 v27, v12  }
0x159: {  	v23 =	vadd.f32 v23, v28;
	v24 =	vadd.f32 v24, v33;
	v13 =	vmovc v30;
	v25 =	vmul.f32 v11, v11  }
0x15a: {  	v15 =	vadd.f32 v37, v15;
	v16 =	vsub.f32 $1.500000000e+00, v16;
	v12 =	vmul.f32 v12, v27  }
0x15b: {  	v23 =	vmax.f32 v23, $1.000000020e-16;
	v20 =	vadd.f32 v21, v20;
	v21 =	vadd.f32 v25, v29  }
0x15c: {  	v24 =	vmax.f32 v24, $1.000000020e-16;
	v16 =	vmul.f32 v16, v26;
	v12 =	vsub.f32 $1.500000000e+00, v12  }
0x15d: {  	v18 =	vand.u32 $0x7FFFFFFF, v18;
	v23 =	vmul.f32 v24, v23;
	v20 =	vmax.f32 v20, $1.000000020e-16  }
0x15e: {  	v21 =	vmax.f32 v21, $1.000000020e-16;
	v18 =	vmul.f32 v16, v18;
	v12 =	vmul.f32 v12, v27  }
0x15f: {  	v15 =	vand.u32 $0x7FFFFFFF, v15;
	v25 =	vshra.s32 v23, $0x1;
	v20 =	vmul.f32 v21, v20;
	v24 =	vld.idx.msk [tilespmem:v14+s23+$0x0], $0xffff  }
0x160: {  	v16 =	vmul.f32 $5.000000000e-01, v23;
	v21 =	vld.idx.msk [tilespmem:v14+s24+$0x0], $0xffff;
	v18 =	vsub.f32 $1.000000000e+00, v18;
	v15 =	vmul.f32 v12, v15  }
0x161: {  	v27 =	vsub.s32 $0x5F3759DF, v25;
	v23 =	vshra.s32 v20, $0x1;
	v12 =	vmul.f32 $5.000000000e-01, v20;
	v14 =	vld.idx.msk [tilespmem:v17+s23+$0x0], $0xffff  }
0x162: {  	s31 =	sadd.s32 $0x2, s31;
	v20 =	vmul.f32 v27, v16;
	v17 =	vld.idx.msk [tilespmem:v17+s24+$0x0], $0xffff;
	v2 =	vadd.f32 v18, v2;
	v18 =	vsub.f32 $1.000000000e+00, v15  }
0x163: {  	p0 =	slt.u32 s31, $0x1AC;
	v30 =	vadd.s32 s2, v8;
	v29 =	vsub.s32 $0x5F3759DF, v23;
	v15 =	vld.idx.msk [tilespmem:v19+s23+$0x0], $0xffff  }
.Ltmp3:
0x164: {  	s29 =	sadd.s32 $0x60, s29;
	v20 =	vmul.f32 v27, v20;
	v23 =	vmul.f32 v29, v12;
	v2 =	vadd.f32 v18, v2;
	(pc) =	sbr.rel @p0 .LBB2_8-.Ltmp3, $4  }
0x165: {  	v25 =	vmul.f32 v38, v32;
	v18 =	vmul.f32 v4, v3;
	v3 =	vmov v24;
	v19 =	vld.idx.msk [tilespmem:v19+s24+$0x0], $0xffff;
	[tilespmem:s29+$0xFFFFFFD0] =	vst v0  }
0x166: {  	v26 =	vmul.f32 v40, v39;
	v32 =	vsub.f32 $1.500000000e+00, v20;
	v33 =	vmul.f32 v29, v23;
	v4 =	vmovc v21;
	[tilespmem:s29+$0xFFFFFFE0] =	vst v0  }
0x167: {  	v31 =	vadd.s32 s2, v6;
	s30 =	sadd.s32 $0x60, s30;
	v23 =	vmul.f32 v24, v3;
	v24 =	vmul.f32 v21, v4;
	[tilespmem:s29+$0xFFFFFFF0] =	vst v0;
	v20 =	vld.idx.msk [tilespmem:v22+s23+$0x0], $0xffff  }
0x168: {  	v28 =	vmul.f32 v14, v14;
	v27 =	vmul.f32 v27, v32;
	v32 =	vsub.f32 $1.500000000e+00, v33;
	[tilespmem:s30+$0xFFFFFFD0] =	vst v0;
	v21 =	vld.idx.msk [tilespmem:v30+s23+$0x0], $0xffff  }
0x169: {  	_ =	sdelay $0x3  }
0x16a: {  	v6 =	vld.idx.msk [tilespmem:v22+s24+$0x0], $0xffff  }
0x16b: {  	v8 =	vld.idx.msk [tilespmem:v30+s24+$0x0], $0xffff;
	[tilespmem:s30+$0xFFFFFFE0] =	vst v0  }
0x16c: {  	v22 =	vld.idx.msk [tilespmem:v31+s23+$0x0], $0xffff;
	[tilespmem:s30+$0xFFFFFFF0] =	vst v0  }
0x16d: {  	v30 =	vld.idx.msk [tilespmem:v31+s24+$0x0], $0xffff;
	[tilespmem:s29+$0x0] =	vst v0  }
0x16e: {  	[tilespmem:s29+$0x10] =	vst v0;
	v57 =	vadd.s32 $0x50A0, v1  }
0x16f: {  	v33 =	vmul.f32 v15, v15;
	[tilespmem:s29+$0x20] =	vst v0;
	v35 =	vadd.s32 $0x50A1, v1;
	v36 =	vmul.f32 v17, v17  }
0x170: {  	v9 =	vmul.f32 v11, v9;
	v5 =	vmul.f32 v10, v5;
	[tilespmem:s30+$0x0] =	vst v0  }
0x171: {  	v37 =	vadd.s32 $0x50A2, v1;
	v7 =	vmul.f32 v13, v7;
	v34 =	vmul.f32 v27, v16;
	[tilespmem:s30+$0x10] =	vst v0  }
0x172: {  	v25 =	vadd.f32 v26, v25;
	v29 =	vmul.f32 v29, v32;
	v58 =	vmul.f32 v19, v19;
	[tilespmem:s30+$0x20] =	vst v0  }
0x173: {  	v14 =	vmul.f32 v17, v14;
	v3 =	vmul.f32 v4, v3;
	v28 =	vadd.f32 v33, v28;
	v13 =	vld.idx.msk [tilespmem:v57+s23+$0x0], $0xffff  }
0x174: {  	v34 =	vmul.f32 v34, v27;
	v59 =	vmul.f32 v29, v12;
	v32 =	vadd.f32 v58, v36;
	v33 =	vld.idx.msk [tilespmem:v35+s23+$0x0], $0xffff  }
0x175: {  	v61 =	vmul.f32 v20, v20;
	v62 =	vmul.f32 v21, v21;
	v23 =	vadd.f32 v23, v28;
	v26 =	vld.idx.msk [tilespmem:v57+s24+$0x0], $0xffff  }
0x176: {  	v11 =	vmul.f32 v59, v29;
	v63 =	vmul.f32 v6, v6;
	v24 =	vadd.f32 v24, v32;
	v28 =	vld.idx.msk [tilespmem:v35+s24+$0x0], $0xffff  }
0x177: {  	v60 =	vsub.f32 $1.500000000e+00, v34;
	v40 =	vmul.f32 v8, v8;
	v34 =	vld.idx.msk [tilespmem:v37+s23+$0x0], $0xffff;
	v42 =	vmul.f32 v22, v22  }
0x178: {  	v36 =	vld.idx.msk [tilespmem:v37+s24+$0x0], $0xffff;
	v43 =	vmul.f32 v30, v30;
	v23 =	vmax.f32 v23, $1.000000020e-16;
	v24 =	vmax.f32 v24, $1.000000020e-16  }
0x179: {  	v41 =	vadd.f32 v62, v61;
	v10 =	vmul.f32 v60, v27;
	v23 =	vmul.f32 v24, v23  }
0x17a: {  	v27 =	vadd.f32 v40, v63;
	v45 =	vmul.f32 v13, v13;
	v46 =	vmul.f32 v33, v33  }
0x17b: {  	v11 =	vsub.f32 $1.500000000e+00, v11;
	v47 =	vmul.f32 v26, v26;
	v48 =	vmul.f32 v28, v28  }
0x17c: {  	v44 =	vadd.f32 v42, v41;
	v27 =	vadd.f32 v43, v27;
	v49 =	vmul.f32 v34, v34  }
0x17d: {  	v51 =	vmul.f32 v36, v36;
	v32 =	vadd.f32 v46, v45;
	v31 =	vadd.f32 v48, v47  }
0x17e: {  	v24 =	vmax.f32 v44, $1.000000020e-16;
	v52 =	vshra.s32 v23, $0x1;
	v23 =	vmul.f32 $5.000000000e-01, v23  }
0x17f: {  	v27 =	vmax.f32 v27, $1.000000020e-16;
	v32 =	vadd.f32 v49, v32;
	v31 =	vadd.f32 v51, v31  }
0x180: {  	v50 =	vmul.f32 v10, v16;
	v53 =	vsub.s32 $0x5F3759DF, v52;
	v24 =	vmul.f32 v27, v24  }
0x181: {  	v54 =	vmul.f32 v53, v23;
	v32 =	vmax.f32 v32, $1.000000020e-16;
	v31 =	vmax.f32 v31, $1.000000020e-16  }
0x182: {  	v55 =	vshra.s32 v24, $0x1;
	v24 =	vmul.f32 $5.000000000e-01, v24;
	v31 =	vmul.f32 v31, v32  }
0x183: {  	v11 =	vmul.f32 v11, v29;
	v29 =	vmul.f32 v53, v54;
	v56 =	vsub.s32 $0x5F3759DF, v55  }
0x184: {  	v35 =	vmul.f32 v56, v24;
	v57 =	vshra.s32 v31, $0x1;
	v31 =	vmul.f32 $5.000000000e-01, v31  }
0x185: {  	v16 =	vmul.f32 v50, v10;
	v29 =	vsub.f32 $1.500000000e+00, v29;
	v37 =	vsub.s32 $0x5F3759DF, v57  }
0x186: {  	v59 =	vmul.f32 v56, v35;
	v60 =	vmul.f32 v37, v31  }
0x187: {  	v5 =	vadd.f32 v7, v5;
	v58 =	vmul.f32 v11, v12;
	v61 =	vmul.f32 v53, v29  }
0x188: {  	v18 =	vadd.f32 v18, v25;
	v7 =	vsub.f32 $1.500000000e+00, v59;
	v62 =	vmul.f32 v37, v60  }
0x189: {  	v12 =	vmul.f32 v58, v11;
	v16 =	vsub.f32 $1.500000000e+00, v16;
	v29 =	vmul.f32 v61, v23  }
0x18a: {  	v6 =	vmul.f32 v6, v20;
	v7 =	vmul.f32 v56, v7;
	v32 =	vsub.f32 $1.500000000e+00, v62  }
0x18b: {  	v63 =	vsub.f32 $1.500000000e+00, v12;
	v10 =	vmul.f32 v16, v10;
	v35 =	vmul.f32 v29, v61  }
0x18c: {  	v5 =	vadd.f32 v9, v5;
	v38 =	vmul.f32 v7, v24;
	v16 =	vmul.f32 v37, v32  }
0x18d: {  	v8 =	vmul.f32 v8, v21;
	v9 =	vmul.f32 v63, v11;
	v39 =	vsub.f32 $1.500000000e+00, v35  }
0x18e: {  	v5 =	vand.u32 $0x7FFFFFFF, v5;
	v40 =	vmul.f32 v38, v7;
	v41 =	vmul.f32 v16, v31  }
0x18f: {  	v18 =	vand.u32 $0x7FFFFFFF, v18;
	v5 =	vmul.f32 v9, v5;
	v9 =	vmul.f32 v39, v61  }
0x190: {  	v44 =	vmul.f32 v19, v15;
	v42 =	vsub.f32 $1.500000000e+00, v40;
	v43 =	vmul.f32 v41, v16  }
0x191: {  	v10 =	vmul.f32 v10, v18;
	v45 =	vmul.f32 v9, v23  }
0x192: {  	v58 =	vmul.f32 v36, v34;
	v4 =	vmul.f32 v42, v7;
	v46 =	vsub.f32 $1.500000000e+00, v43  }
0x193: {  	v49 =	vmul.f32 v30, v22;
	v10 =	vsub.f32 $1.000000000e+00, v10;
	v47 =	vmul.f32 v45, v9  }
0x194: {  	v6 =	vadd.f32 v8, v6;
	v48 =	vmul.f32 v4, v24;
	v7 =	vmul.f32 v46, v16  }
0x195: {  	v54 =	vmul.f32 v28, v33;
	v2 =	vadd.f32 v10, v2;
	v10 =	vadd.f32 v44, v14  }
0x196: {  	v50 =	vsub.f32 $1.500000000e+00, v47;
	v51 =	vmul.f32 v48, v4;
	v52 =	vmul.f32 v7, v31  }
0x197: {  	v6 =	vadd.f32 v49, v6;
	v53 =	vmul.f32 v26, v13;
	v3 =	vadd.f32 v3, v10  }
0x198: {  	v8 =	vmul.f32 v50, v9;
	v55 =	vsub.f32 $1.500000000e+00, v51;
	v56 =	vmul.f32 v52, v7  }
0x199: {  	v57 =	vadd.f32 v54, v53;
	v5 =	vsub.f32 $1.000000000e+00, v5;
	v3 =	vand.u32 $0x7FFFFFFF, v3  }
0x19a: {  	v3 =	vmul.f32 v8, v3;
	v4 =	vmul.f32 v55, v4;
	v59 =	vsub.f32 $1.500000000e+00, v56  }
0x19b: {  	v2 =	vadd.f32 v5, v2;
	v60 =	vand.u32 $0x7FFFFFFF, v6;
	v61 =	vadd.f32 v58, v57  }
0x19c: {  	v3 =	vsub.f32 $1.000000000e+00, v3;
	v4 =	vmul.f32 v4, v60;
	v62 =	vmul.f32 v59, v7  }
0x19d: {  	p0 =	sne.s32 s28, $0x8;
	[tilespmem:$0x194A0] =	vst v0;
	v6 =	vand.u32 $0x7FFFFFFF, v61  }
.Ltmp4:
0x19e: {  	[tilespmem:$0x194B0] =	vst v0;
	v2 =	vadd.f32 v3, v2;
	v3 =	vsub.f32 $1.000000000e+00, v4;
	v63 =	vmul.f32 v62, v6;
	(pc) =	sbr.rel @p0 .LBB2_5-.Ltmp4, $4  }
0x19f: {  	[tilespmem:$0x194C0] =	vst v0  }
0x1a0: {  	[tilespmem:$0x1E5A0] =	vst v0;
	v2 =	vadd.f32 v3, v2;
	v3 =	vsub.f32 $1.000000000e+00, v63  }
0x1a1: {  	[tilespmem:$0x1E5B0] =	vst v0  }
0x1a2: {  	[tilespmem:$0x1E5C0] =	vst v0;
	v2 =	vadd.f32 v3, v2  }
0x1a3: {  	_ =	swait.ge [sflag:s21], $0x5100  }
0x1a4: {  	[sflag:s21] =	ssyncset.done $0x0  }
0x1a5: {  	v2 =	vmul.f32 $1.451378780e-04, v2;
	[sflag:s21] =	ssyncadd.s32 $0xFFFFAF00  }
0x1a6: {  	_ =	swait.ge [sflag:s22], $0x5100  }
0x1a7: {  	s26 =	sadd.s32 $0x1, s26;
	v2 =	vadd.f32 $-4.354136470e-04, v2;
	[sflag:s22] =	ssyncset.done $0x0  }
0x1a8: {  	p0 =	sne.s32 s26, s13;
	[sflag:s22] =	ssyncadd.s32 $0xFFFFAF00  }
.Ltmp5:
0x1a9: {  	[tilespmem:$0x1E600] =	vst v2;
	(pc) =	sbr.rel @p0 .LBB2_1-.Ltmp5, $4  }
0x1aa: {  	[hbm4b:s12+s3] =	stream.linear.scatter [tilespmem:s25], [sflag:$0x3], $0x10, $0x38;
	[tilespmem:$0x1E680] =	vst v63  }
0x1ab: {  	_ =	swait.ge [sflag:s18], $0x10  }
0x1ac: {  	[sflag:s18] =	ssyncset.done $0x0  }
0x1ad: {  	[sflag:s18] =	ssyncadd.s32 $0xFFFFFFF0  }
0x1ae: {  	_ =	sfence.sel $0x180000  }
0x1af: {  	[bflag:$0x0] =	sbarrier.arrive $0xFFFF  }
0x1b0: {  	_ =	strace $0x90000047  }
0x1b1: {  	s0 =	stileid.u32;
	[bflag:$0x2] =	sbarrier.arrive $0xFFFF  }
0x1b2: {  	p0 =	sne.s32 s0, $0x0;
	s0 =	rddreg [dreg:$0x1]  }
0x1b3: {  	s0 =	sadd.s32 @!p0 $0x100000, s0  }
0x1b4: {  	[sflag:s0] =	ssyncadd.tile.s32 @!p0 $0x1;
	_ =	shalt  }
.Lfunc_end2:
_tile_overlayer_lowered:
.L_overlay_start_2:
0x1b5: {  	(tag) =	ssettag $0x2  }
0x1b6: {  	s0 =	rddreg [dreg:$0x0];
	s2 =	stileid.u32  }
0x1b7: {  	s1 =	rddreg [dreg:$0x1];
	p0 =	sne.s32 s2, $0x0  }
0x1b8: {  	s3 =	rddreg [dreg:$0x2];
	[bflag:$0x3] =	sbarrier.arrive $0xFFFF;
	s2 =	simm.s32 @!p0 $0x1C03  }
0x1b9: {  	[timem:s3], [sflag:s2] =	dma.local @!p0 [hbm:s0], s1  }
0x1ba: {  	s0 =	simm.s32 @!p0 $0x3  }
0x1bb: {  	_ =	swait.ge @!p0 [sflag:s0], s1  }
0x1bc: {  	s1 =	ssub.s32 @!p0 $0x0, s1;
	[sflag:s0] =	ssyncset.done @!p0 $0x0  }
0x1bd: {  	[sflag:s0] =	ssyncadd.s32 @!p0 s1  }
0x1be: {  	[bflag:$0x3] =	sbarrier.arrive $0xFFFF  }
0x1bf: {  	_ =	shalt  }

</sc_bundles>
